<compile_context>
chip_gen: v7x
topology: tpu7x:2x2x1
jax: 0.10.2.dev20260603
libtpu: 0.0.44.dev20260713+nightly
codegen_flags: <defaults>
</compile_context>

<pallas_src>
import functools

import jax
import jax.numpy as jnp
from jax import lax
from jax.experimental import pallas as pl
from jax.experimental.pallas import tpu as pltpu
from jax.experimental.pallas import tpu_sc as plsc

NC = 2
NS = 16
NW = NC * NS
K = 80


def _sc_mesh():
    return plsc.VectorSubcoreMesh(core_axis_name="c", subcore_axis_name="s")


@functools.lru_cache(maxsize=None)
def _make_deg_kernel(E, N):
    e_per = E // NW
    n_chunks = e_per // K

    @functools.partial(
        pl.kernel,
        out_type=jax.ShapeDtypeStruct((NC, 1, N), jnp.float32),
        mesh=_sc_mesh(),
        scratch_types=[
            pltpu.VMEM((e_per,), jnp.int32),
            pltpu.VMEM((K,), jnp.int32),
            pltpu.VMEM((K,), jnp.float32),
            pltpu.VMEM_SHARED((N,), jnp.float32),
        ],
    )
    def deg_kernel(col_hbm, zeros_n_hbm, degp_hbm, col_all, col_buf, ones_buf, deg_sh):
        c = lax.axis_index("c")
        s = lax.axis_index("s")
        w = c * NS + s

        @pl.when(s == 0)
        def _():
            pltpu.sync_copy(zeros_n_hbm, deg_sh)

        pltpu.sync_copy(col_hbm.at[pl.ds(w * e_per, e_per)], col_all)
        for k in range(K // 16):
            ones_buf[pl.ds(k * 16, 16)] = jnp.ones((16,), jnp.float32)
        plsc.subcore_barrier()

        @pl.loop(0, n_chunks)
        def _(i):
            off = i * K
            for k in range(K // 16):
                col_buf[pl.ds(k * 16, 16)] = col_all[pl.ds(off + k * 16, 16)]
            pltpu.sync_copy(ones_buf, deg_sh.at[col_buf], add=True)

        plsc.subcore_barrier()

        @pl.when(s == 0)
        def _():
            pltpu.sync_copy(deg_sh, degp_hbm.at[c, 0])

    return deg_kernel


@functools.lru_cache(maxsize=None)
def _make_scatter_kernel(E, N, H, with_q):
    e_per = E // NW
    n_chunks = e_per // K
    Np = -(-N // (8 * NS)) * (8 * NS)
    n_per = Np // NS

    if n_chunks % 2 != 1:
        raise ValueError("pipeline assumes an odd chunk count")
    n_pairs = (n_chunks - 1) // 2

    out_type = [jax.ShapeDtypeStruct((NC, Np, H), jnp.float32)]
    scratch = [
        pltpu.VMEM((e_per,), jnp.int32),
        pltpu.VMEM((e_per,), jnp.int32),
    ]
    for _ in range(2):
        scratch += [
            pltpu.VMEM((K,), jnp.int32),
            pltpu.VMEM((K,), jnp.int32),
            pltpu.VMEM((K, H), jnp.float32),
            pltpu.SemaphoreType.DMA,
            pltpu.SemaphoreType.DMA,
        ]
    scratch.append(pltpu.VMEM_SHARED((Np, H), jnp.float32))
    if with_q:
        out_type.append(jax.ShapeDtypeStruct((NC, 1, N), jnp.float32))
        for _ in range(2):
            scratch += [
                pltpu.VMEM((K,), jnp.float32),
                pltpu.SemaphoreType.DMA,
                pltpu.SemaphoreType.DMA,
            ]
        scratch.append(pltpu.VMEM_SHARED((N,), jnp.float32))

    def body(*refs):
        if with_q:
            (y_hbm, row_hbm, col_hbm, dis_hbm, zeros_nh, zeros_n,
             vout, qout,
             row_all, col_all,
             rbA, cbA, rvA, gsA, ssA,
             rbB, cbB, rvB, gsB, ssB,
             acc_sh,
             dvA, qgA, qsA, dvB, qgB, qsB, q_sh) = refs
            bufs = ((rbA, cbA, rvA, gsA, ssA, dvA, qgA, qsA),
                    (rbB, cbB, rvB, gsB, ssB, dvB, qgB, qsB))
        else:
            (y_hbm, row_hbm, col_hbm, zeros_nh,
             vout,
             row_all, col_all,
             rbA, cbA, rvA, gsA, ssA,
             rbB, cbB, rvB, gsB, ssB,
             acc_sh) = refs
            bufs = ((rbA, cbA, rvA, gsA, ssA, None, None, None),
                    (rbB, cbB, rvB, gsB, ssB, None, None, None))

        c = lax.axis_index("c")
        s = lax.axis_index("s")
        w = c * NS + s

        pltpu.sync_copy(zeros_nh.at[pl.ds(s * n_per, n_per)],
                        acc_sh.at[pl.ds(s * n_per, n_per)])
        if with_q:
            @pl.when(s == 0)
            def _():
                pltpu.sync_copy(zeros_n, q_sh)
        pltpu.sync_copy(row_hbm.at[pl.ds(w * e_per, e_per)], row_all)
        pltpu.sync_copy(col_hbm.at[pl.ds(w * e_per, e_per)], col_all)
        plsc.subcore_barrier()

        def prep(i, b):
            rb, cb = b[0], b[1]
            off = i * K
            for k in range(K // 16):
                rb[pl.ds(k * 16, 16)] = row_all[pl.ds(off + k * 16, 16)]
                cb[pl.ds(k * 16, 16)] = col_all[pl.ds(off + k * 16, 16)]

        def gstart(b):
            ds = [pltpu.async_copy(y_hbm.at[b[0]], b[2], b[3])]
            if with_q:
                ds.append(pltpu.async_copy(dis_hbm.at[b[1]], b[5], b[6]))
            return ds

        def sstart(b):
            ds = [pltpu.async_copy(b[2], acc_sh.at[b[1]], b[4], add=True)]
            if with_q:
                ds.append(pltpu.async_copy(b[5], q_sh.at[b[0]], b[7], add=True))
            return ds

        def wait(ds):
            for d in ds:
                d.wait()

        A, B = bufs

        @pl.loop(0, n_pairs)
        def _(i):
            ch = 2 * i
            prep(ch, A)
            gA = gstart(A)
            prep(ch + 1, B)
            gB = gstart(B)
            wait(gA)
            sA = sstart(A)
            wait(sA)
            wait(gB)
            sB = sstart(B)
            wait(sB)

        prep(n_chunks - 1, A)
        gA = gstart(A)
        wait(gA)
        wait(sstart(A))

        plsc.subcore_barrier()

        pltpu.sync_copy(acc_sh.at[pl.ds(s * n_per, n_per)],
                        vout.at[c, pl.ds(s * n_per, n_per)])
        if with_q:
            @pl.when(s == 0)
            def _():
                pltpu.sync_copy(q_sh, qout.at[c, 0])

    return pl.kernel(
        body,
        out_type=tuple(out_type) if with_q else out_type[0],
        mesh=_sc_mesh(),
        scratch_types=scratch,
    )


def _tc_dis_y1(degp, x, W1, BN=1000):
    N, D = x.shape
    H = W1.shape[1]

    def tc1(degp_ref, x_ref, w_ref, dis_ref, y_ref):
        dp = degp_ref[...]
        deg = dp[0] + dp[1]
        dis = jnp.where(deg > 0, lax.rsqrt(deg), 0.0)
        dis_ref[...] = dis
        xw = jnp.dot(x_ref[...], w_ref[...], preferred_element_type=jnp.float32)
        y_ref[...] = dis * xw

    return pl.pallas_call(
        tc1,
        grid=(N // BN,),
        in_specs=[
            pl.BlockSpec((NC, BN, 1), lambda i: (0, i, 0)),
            pl.BlockSpec((BN, D), lambda i: (i, 0)),
            pl.BlockSpec((D, H), lambda i: (0, 0)),
        ],
        out_specs=[
            pl.BlockSpec((BN, 1), lambda i: (i, 0)),
            pl.BlockSpec((BN, H), lambda i: (i, 0)),
        ],
        out_shape=[
            jax.ShapeDtypeStruct((N, 1), jnp.float32),
            jax.ShapeDtypeStruct((N, H), jnp.float32),
        ],
    )(degp, x, W1)


def _tc_mid(vp, dis, b, W, BN=1000):
    _, _, H = vp.shape
    N = dis.shape[0]

    def tc2(vp_ref, dis_ref, b_ref, w_ref, y_ref):
        v = vp_ref[0] + vp_ref[1]
        dis = dis_ref[...]
        h = dis * v + b_ref[...]
        y_ref[...] = dis * jnp.dot(
            h, w_ref[...], preferred_element_type=jnp.float32)

    return pl.pallas_call(
        tc2,
        grid=(N // BN,),
        in_specs=[
            pl.BlockSpec((NC, BN, H), lambda i: (0, i, 0)),
            pl.BlockSpec((BN, 1), lambda i: (i, 0)),
            pl.BlockSpec((H,), lambda i: (0,)),
            pl.BlockSpec((H, H), lambda i: (0, 0)),
        ],
        out_specs=pl.BlockSpec((BN, H), lambda i: (i, 0)),
        out_shape=jax.ShapeDtypeStruct((N, H), jnp.float32),
    )(vp, dis, b, W)


def _tc_final(vp, qp, dis, b2, W3, Wl, b3, bl, BN=1000):
    _, _, H = vp.shape
    N = dis.shape[0]
    nsteps = N // BN

    def tc3(vp_ref, qp_ref, dis_ref, b2_ref, w3_ref, wl_ref, b3_ref, bl_ref,
            out_ref, sacc):
        i = pl.program_id(0)

        @pl.when(i == 0)
        def _():
            sacc[...] = jnp.zeros_like(sacc)

        v = vp_ref[0] + vp_ref[1]
        dis = dis_ref[...]
        h2 = dis * v + b2_ref[...]
        g = dis * (qp_ref[0] + qp_ref[1])
        m = jnp.dot(h2, w3_ref[...], preferred_element_type=jnp.float32)
        sacc[...] += jnp.sum(g * m, axis=0, keepdims=True)

        @pl.when(i == nsteps - 1)
        def _():
            pooled = sacc[...] * (1.0 / N) + b3_ref[...][None, :]
            out_ref[...] = jnp.dot(pooled, wl_ref[...],
                                   preferred_element_type=jnp.float32) + bl_ref[...]

    return pl.pallas_call(
        tc3,
        grid=(nsteps,),
        in_specs=[
            pl.BlockSpec((NC, BN, H), lambda i: (0, i, 0)),
            pl.BlockSpec((NC, BN, 1), lambda i: (0, i, 0)),
            pl.BlockSpec((BN, 1), lambda i: (i, 0)),
            pl.BlockSpec((H,), lambda i: (0,)),
            pl.BlockSpec((H, H), lambda i: (0, 0)),
            pl.BlockSpec((H, 1), lambda i: (0, 0)),
            pl.BlockSpec((H,), lambda i: (0,)),
            pl.BlockSpec((1,), lambda i: (0,)),
        ],
        out_specs=pl.BlockSpec((1, 1), lambda i: (0, 0)),
        out_shape=jax.ShapeDtypeStruct((1, 1), jnp.float32),
        scratch_shapes=[pltpu.VMEM((1, H), jnp.float32)],
    )(vp, qp, dis, b2, W3, Wl, b3, bl)


def kernel(x, edge_index, edge_attr, W1, b1, W2, b2, W3, b3, Wl, bl):
    N, _ = x.shape
    H = W1.shape[1]
    E = edge_index.shape[1]
    row = edge_index[0]
    col = edge_index[1]
    Np = -(-N // (8 * NS)) * (8 * NS)
    zeros_nh = jnp.zeros((Np, H), jnp.float32)
    zeros_n = jnp.zeros((N,), jnp.float32)

    degp = _make_deg_kernel(E, N)(col, zeros_n)
    dis2, y1 = _tc_dis_y1(degp.reshape(NC, N, 1), x, W1)
    dis1 = dis2.reshape(N)
    v1p, qp = _make_scatter_kernel(E, N, H, True)(
        y1, row, col, dis1, zeros_nh, zeros_n)
    y2 = _tc_mid(v1p, dis2, b1, W2)
    v2p = _make_scatter_kernel(E, N, H, False)(y2, row, col, zeros_nh)
    return _tc_final(v2p, qp.reshape(NC, N, 1), dis2, b2, W3, Wl, b3, bl)

# --- scband reference (transcript-rebuilt; emitter-appended) ---
"""Pipeline reference for scband-simple-gnn-38027640439166 (READ-ONLY COPY).

The authoritative reference and input builder live on the scoring server;
editing this copy changes nothing except your own understanding.
"""

import jax, jax.numpy as jnp
import numpy as np

N = 10000
E = 320000
D = 128
H = 128


def setup_inputs(seed: int = 0) -> dict:
    key = jax.random.key(seed)
    ks = jax.random.split(key, 12)
    x = jax.random.normal(ks[0], (N, D), dtype=jnp.float32)
    edge_index = jax.random.randint(ks[1], (2, E), 0, N, dtype=jnp.int32)
    edge_attr = jax.random.normal(ks[2], (E, 4), dtype=jnp.float32)
    W1 = jax.random.normal(ks[3], (D, H), dtype=jnp.float32) * (1.0 / np.sqrt(D))
    b1 = jnp.zeros((H,), dtype=jnp.float32)
    W2 = jax.random.normal(ks[4], (H, H), dtype=jnp.float32) * (1.0 / np.sqrt(H))
    b2 = jnp.zeros((H,), dtype=jnp.float32)
    W3 = jax.random.normal(ks[5], (H, H), dtype=jnp.float32) * (1.0 / np.sqrt(H))
    b3 = jnp.zeros((H,), dtype=jnp.float32)
    Wl = jax.random.normal(ks[6], (H, 1), dtype=jnp.float32) * (1.0 / np.sqrt(H))
    bl = jnp.zeros((1,), dtype=jnp.float32)
    return {"x": x, "edge_index": edge_index, "edge_attr": edge_attr,
            "W1": W1, "b1": b1, "W2": W2, "b2": b2, "W3": W3, "b3": b3,
            "Wl": Wl, "bl": bl}


def _gcn_layer(x, edge_index, W, b):
    # GCNConv with add_self_loops=False, no edge weights (edge_dim != 1):
    # deg computed over destination nodes, symmetric normalization
    row = edge_index[0]
    col = edge_index[1]
    ones = jnp.ones((E,), dtype=x.dtype)
    deg = jax.ops.segment_sum(ones, col, num_segments=N)
    deg_inv_sqrt = jnp.where(deg > 0, deg ** -0.5, 0.0)
    norm = deg_inv_sqrt[row] * deg_inv_sqrt[col]
    xw = x @ W
    msgs = norm[:, None] * jnp.take(xw, row, axis=0)
    out = jax.ops.segment_sum(msgs, col, num_segments=N)
    return out + b


def reference(x, edge_index, edge_attr, W1, b1, W2, b2, W3, b3, Wl, bl):
    # edge_attr has d_edge=4 != 1, so GCNConv path ignores it
    h = _gcn_layer(x, edge_index, W1, b1)
    h = _gcn_layer(h, edge_index, W2, b2)
    h = _gcn_layer(h, edge_index, W3, b3)
    # global_mean_pool with batch=None -> single graph mean over all nodes
    pooled = jnp.mean(h, axis=0, keepdims=True)  # [1, H]
    out = pooled @ Wl + bl  # [1, 1]
    return out

if __name__ == "__main__":
    import jax
    _d = setup_inputs()
    print(jax.jit(kernel)(*tuple(_d.values())))

</pallas_src>

<mosaic_0001>
#map = affine_map<(d0, d1) -> (0, 0)>
#map1 = affine_map<(d0, d1) -> (0)>
#map2 = affine_map<(d0, d1) -> (0, 0, 0)>
module attributes {stable_mosaic.version = 14 : i64} {
  func.func @body(%arg0: i32, %arg1: i32, %arg2: memref<10000x128xf32, #tpu.memory_space<hbm>>, %arg3: memref<320000xi32, #tpu.memory_space<hbm>>, %arg4: memref<320000xi32, #tpu.memory_space<hbm>>, %arg5: memref<10000xf32, #tpu.memory_space<hbm>>, %arg6: memref<10112x128xf32, #tpu.memory_space<hbm>>, %arg7: memref<10000xf32, #tpu.memory_space<hbm>>, %arg8: memref<2x10112x128xf32, #tpu.memory_space<hbm>>, %arg9: memref<2x1x10000xf32, #tpu.memory_space<hbm>>, %arg10: memref<10000xi32, #tpu.memory_space<vmem>>, %arg11: memref<10000xi32, #tpu.memory_space<vmem>>, %arg12: memref<80xi32, #tpu.memory_space<vmem>>, %arg13: memref<80xi32, #tpu.memory_space<vmem>>, %arg14: memref<80x128xf32, #tpu.memory_space<vmem>>, %arg15: memref<!tpu.dma_semaphore, #tpu.memory_space<semaphore_mem>>, %arg16: memref<!tpu.dma_semaphore, #tpu.memory_space<semaphore_mem>>, %arg17: memref<80xi32, #tpu.memory_space<vmem>>, %arg18: memref<80xi32, #tpu.memory_space<vmem>>, %arg19: memref<80x128xf32, #tpu.memory_space<vmem>>, %arg20: memref<!tpu.dma_semaphore, #tpu.memory_space<semaphore_mem>>, %arg21: memref<!tpu.dma_semaphore, #tpu.memory_space<semaphore_mem>>, %arg22: memref<10112x128xf32, #tpu.memory_space<vmem_shared>>, %arg23: memref<80xf32, #tpu.memory_space<vmem>>, %arg24: memref<!tpu.dma_semaphore, #tpu.memory_space<semaphore_mem>>, %arg25: memref<!tpu.dma_semaphore, #tpu.memory_space<semaphore_mem>>, %arg26: memref<80xf32, #tpu.memory_space<vmem>>, %arg27: memref<!tpu.dma_semaphore, #tpu.memory_space<semaphore_mem>>, %arg28: memref<!tpu.dma_semaphore, #tpu.memory_space<semaphore_mem>>, %arg29: memref<10000xf32, #tpu.memory_space<vmem_shared>>) attributes {dimension_semantics = [#tpu.dimension_semantics<core_parallel>, #tpu.dimension_semantics<subcore_parallel>], iteration_bounds = array<i64: 2, 16>, scalar_prefetch = 0 : i64, scratch_operands = 20 : i64, tpu.core_type = #tpu.core_type<sc_vector_subcore>, window_params = [{transform_indices = #map}, {transform_indices = #map1}, {transform_indices = #map1}, {transform_indices = #map1}, {transform_indices = #map}, {transform_indices = #map1}, {transform_indices = #map2}, {transform_indices = #map2}]} {
    %mul3A = arith.constant 16 : i32
    %mul3A_0 = arith.muli %arg0, %mul3A : i32
    %add3A = arith.addi %mul3A_0, %arg1 : i32
    %mul3A_1 = arith.constant 632 : i32
    %mul3A_2 = arith.muli %arg1, %mul3A_1 : i32
    %mul3A_3 = arith.constant 632 : i32
    %mul3A_4 = arith.muli %arg1, %mul3A_3 : i32
    "tpu.region"() ({
      %run_scoped3A = tpu.sem_alloc : memref<!tpu.dma_semaphore, #tpu.memory_space<semaphore_mem>>
      %dma_start3A_111 = arith.constant 0 : i32
      %dma_start3A_112 = tpu.memref_slice %arg22[%mul3A_4, %dma_start3A_111] : memref<10112x128xf32, #tpu.memory_space<vmem_shared>> -> memref<632x128xf32, #tpu.memory_space<vmem_shared>>
      %dma_start3A_113 = arith.constant 0 : i32
      %dma_start3A_114 = tpu.memref_slice %arg6[%mul3A_2, %dma_start3A_113] : memref<10112x128xf32, #tpu.memory_space<hbm>> -> memref<632x128xf32, #tpu.memory_space<hbm>>
      tpu.enqueue_dma source(%dma_start3A_114 : memref<632x128xf32, #tpu.memory_space<hbm>>) target(%dma_start3A_112 : memref<632x128xf32, #tpu.memory_space<vmem_shared>>) target_semaphore(%run_scoped3A : memref<!tpu.dma_semaphore, #tpu.memory_space<semaphore_mem>>)
      %dma_wait3A_115 = arith.constant 0 : i32
      %dma_wait3A_116 = tpu.memref_slice %arg22[%mul3A_4, %dma_wait3A_115] : memref<10112x128xf32, #tpu.memory_space<vmem_shared>> -> memref<632x128xf32, #tpu.memory_space<vmem_shared>>
      %dma_wait3A_117 = arith.constant 0 : i32
      %dma_wait3A_118 = tpu.memref_slice %arg6[%mul3A_2, %dma_wait3A_117] : memref<10112x128xf32, #tpu.memory_space<hbm>> -> memref<632x128xf32, #tpu.memory_space<hbm>>
      tpu.wait_dma2 semaphore(%run_scoped3A : memref<!tpu.dma_semaphore, #tpu.memory_space<semaphore_mem>>) src(%dma_wait3A_118 : memref<632x128xf32, #tpu.memory_space<hbm>>) dst(%dma_wait3A_116 : memref<632x128xf32, #tpu.memory_space<vmem_shared>>)
      tpu.yield
    }) : () -> ()
    %eq3A = arith.constant 0 : i32
    %eq3A_5 = arith.cmpi eq, %arg1, %eq3A : i32
    %convert_element_type3A = arith.extui %eq3A_5 : i1 to i32
    %cond3A = arith.constant 0 : i32
    %cond3A_6 = arith.cmpi ne, %convert_element_type3A, %cond3A : i32
    scf.if %cond3A_6 {
      "tpu.region"() ({
        %run_scoped3A = tpu.sem_alloc : memref<!tpu.dma_semaphore, #tpu.memory_space<semaphore_mem>>
        tpu.enqueue_dma source(%arg7 : memref<10000xf32, #tpu.memory_space<hbm>>) target(%arg29 : memref<10000xf32, #tpu.memory_space<vmem_shared>>) target_semaphore(%run_scoped3A : memref<!tpu.dma_semaphore, #tpu.memory_space<semaphore_mem>>)
        tpu.wait_dma2 semaphore(%run_scoped3A : memref<!tpu.dma_semaphore, #tpu.memory_space<semaphore_mem>>) src(%arg7 : memref<10000xf32, #tpu.memory_space<hbm>>) dst(%arg29 : memref<10000xf32, #tpu.memory_space<vmem_shared>>)
        tpu.yield
      }) : () -> ()
    } else {
    }
    %mul3A_7 = arith.constant 10000 : i32
    %mul3A_8 = arith.muli %add3A, %mul3A_7 : i32
    "tpu.region"() ({
      %run_scoped3A = tpu.sem_alloc : memref<!tpu.dma_semaphore, #tpu.memory_space<semaphore_mem>>
      %dma_start3A_111 = tpu.memref_slice %arg3[%mul3A_8] : memref<320000xi32, #tpu.memory_space<hbm>> -> memref<10000xi32, #tpu.memory_space<hbm>>
      %dma_start3A_112 = tpu.memref_slice %arg3[%mul3A_8] : memref<320000xi32, #tpu.memory_space<hbm>> -> memref<10000xi32, #tpu.memory_space<hbm>>
      tpu.enqueue_dma source(%dma_start3A_112 : memref<10000xi32, #tpu.memory_space<hbm>>) target(%arg10 : memref<10000xi32, #tpu.memory_space<vmem>>) target_semaphore(%run_scoped3A : memref<!tpu.dma_semaphore, #tpu.memory_space<semaphore_mem>>)
      %dma_wait3A_113 = tpu.memref_slice %arg3[%mul3A_8] : memref<320000xi32, #tpu.memory_space<hbm>> -> memref<10000xi32, #tpu.memory_space<hbm>>
      %dma_wait3A_114 = tpu.memref_slice %arg3[%mul3A_8] : memref<320000xi32, #tpu.memory_space<hbm>> -> memref<10000xi32, #tpu.memory_space<hbm>>
      tpu.wait_dma2 semaphore(%run_scoped3A : memref<!tpu.dma_semaphore, #tpu.memory_space<semaphore_mem>>) src(%dma_wait3A_114 : memref<10000xi32, #tpu.memory_space<hbm>>) dst(%arg10 : memref<10000xi32, #tpu.memory_space<vmem>>)
      tpu.yield
    }) : () -> ()
    %mul3A_9 = arith.constant 10000 : i32
    %mul3A_10 = arith.muli %add3A, %mul3A_9 : i32
    "tpu.region"() ({
      %run_scoped3A = tpu.sem_alloc : memref<!tpu.dma_semaphore, #tpu.memory_space<semaphore_mem>>
      %dma_start3A_111 = tpu.memref_slice %arg4[%mul3A_10] : memref<320000xi32, #tpu.memory_space<hbm>> -> memref<10000xi32, #tpu.memory_space<hbm>>
      %dma_start3A_112 = tpu.memref_slice %arg4[%mul3A_10] : memref<320000xi32, #tpu.memory_space<hbm>> -> memref<10000xi32, #tpu.memory_space<hbm>>
      tpu.enqueue_dma source(%dma_start3A_112 : memref<10000xi32, #tpu.memory_space<hbm>>) target(%arg11 : memref<10000xi32, #tpu.memory_space<vmem>>) target_semaphore(%run_scoped3A : memref<!tpu.dma_semaphore, #tpu.memory_space<semaphore_mem>>)
      %dma_wait3A_113 = tpu.memref_slice %arg4[%mul3A_10] : memref<320000xi32, #tpu.memory_space<hbm>> -> memref<10000xi32, #tpu.memory_space<hbm>>
      %dma_wait3A_114 = tpu.memref_slice %arg4[%mul3A_10] : memref<320000xi32, #tpu.memory_space<hbm>> -> memref<10000xi32, #tpu.memory_space<hbm>>
      tpu.wait_dma2 semaphore(%run_scoped3A : memref<!tpu.dma_semaphore, #tpu.memory_space<semaphore_mem>>) src(%dma_wait3A_114 : memref<10000xi32, #tpu.memory_space<hbm>>) dst(%arg11 : memref<10000xi32, #tpu.memory_space<vmem>>)
      tpu.yield
    }) : () -> ()
    %barrier3A = arith.constant 0 : index
    tpu.barrier barrier_id(%barrier3A)
    %scan3A = arith.constant 0 : i32
    %scan3A_11 = arith.constant 62 : i32
    %scan3A_12 = arith.addi %scan3A, %scan3A_11 : i32
    %scan3A_13 = arith.constant 1 : i32
    scf.for %scan3A_111 = %scan3A to %scan3A_12 step %scan3A_13  : i32 {
      %mul3A_112 = arith.constant 1 : i32
      %mul3A_113 = arith.muli %scan3A_111, %mul3A_112 : i32
      %add3A_114 = arith.constant 0 : i32
      %add3A_115 = arith.addi %add3A_114, %mul3A_113 : i32
      %mul3A_116 = arith.constant 2 : i32
      %mul3A_117 = arith.muli %mul3A_116, %add3A_115 : i32
      %mul3A_118 = arith.constant 80 : i32
      %mul3A_119 = arith.muli %mul3A_117, %mul3A_118 : i32
      %add3A_120 = arith.constant 0 : i32
      %add3A_121 = arith.addi %mul3A_119, %add3A_120 : i32
      %get3A_122 = arith.index_cast %add3A_121 : i32 to index
      %get3A_123 = tpu.vector_load %arg10[%get3A_122] {strides = array<i32>} : memref<10000xi32, #tpu.memory_space<vmem>>, vector<16xi32>,
      %get3A_124 = vector.shape_cast %get3A_123 : vector<16xi32> to vector<16xi32>
      %swap3A_125 = arith.constant 0 : index
      %swap3A_126 = tpu.vector_load %arg12[%swap3A_125] {strides = array<i32>} : memref<80xi32, #tpu.memory_space<vmem>>, vector<16xi32>,
      %swap3A_127 = vector.shape_cast %swap3A_126 : vector<16xi32> to vector<16xi32>
      %swap3A_128 = vector.shape_cast %get3A_124 : vector<16xi32> to vector<16xi32>
      tpu.vector_store %arg12[%swap3A_125], %swap3A_128 {strides = array<i32>} : memref<80xi32, #tpu.memory_space<vmem>>, vector<16xi32>,
      %add3A_129 = arith.constant 0 : i32
      %add3A_130 = arith.addi %mul3A_119, %add3A_129 : i32
      %get3A_131 = arith.index_cast %add3A_130 : i32 to index
      %get3A_132 = tpu.vector_load %arg11[%get3A_131] {strides = array<i32>} : memref<10000xi32, #tpu.memory_space<vmem>>, vector<16xi32>,
      %get3A_133 = vector.shape_cast %get3A_132 : vector<16xi32> to vector<16xi32>
      %swap3A_134 = arith.constant 0 : index
      %swap3A_135 = tpu.vector_load %arg13[%swap3A_134] {strides = array<i32>} : memref<80xi32, #tpu.memory_space<vmem>>, vector<16xi32>,
      %swap3A_136 = vector.shape_cast %swap3A_135 : vector<16xi32> to vector<16xi32>
      %swap3A_137 = vector.shape_cast %get3A_133 : vector<16xi32> to vector<16xi32>
      tpu.vector_store %arg13[%swap3A_134], %swap3A_137 {strides = array<i32>} : memref<80xi32, #tpu.memory_space<vmem>>, vector<16xi32>,
      %add3A_138 = arith.constant 16 : i32
      %add3A_139 = arith.addi %mul3A_119, %add3A_138 : i32
      %get3A_140 = arith.index_cast %add3A_139 : i32 to index
      %get3A_141 = tpu.vector_load %arg10[%get3A_140] {strides = array<i32>} : memref<10000xi32, #tpu.memory_space<vmem>>, vector<16xi32>,
      %get3A_142 = vector.shape_cast %get3A_141 : vector<16xi32> to vector<16xi32>
      %swap3A_143 = arith.constant 16 : index
      %swap3A_144 = tpu.vector_load %arg12[%swap3A_143] {strides = array<i32>} : memref<80xi32, #tpu.memory_space<vmem>>, vector<16xi32>,
      %swap3A_145 = vector.shape_cast %swap3A_144 : vector<16xi32> to vector<16xi32>
      %swap3A_146 = vector.shape_cast %get3A_142 : vector<16xi32> to vector<16xi32>
      tpu.vector_store %arg12[%swap3A_143], %swap3A_146 {strides = array<i32>} : memref<80xi32, #tpu.memory_space<vmem>>, vector<16xi32>,
      %add3A_147 = arith.constant 16 : i32
      %add3A_148 = arith.addi %mul3A_119, %add3A_147 : i32
      %get3A_149 = arith.index_cast %add3A_148 : i32 to index
      %get3A_150 = tpu.vector_load %arg11[%get3A_149] {strides = array<i32>} : memref<10000xi32, #tpu.memory_space<vmem>>, vector<16xi32>,
      %get3A_151 = vector.shape_cast %get3A_150 : vector<16xi32> to vector<16xi32>
      %swap3A_152 = arith.constant 16 : index
      %swap3A_153 = tpu.vector_load %arg13[%swap3A_152] {strides = array<i32>} : memref<80xi32, #tpu.memory_space<vmem>>, vector<16xi32>,
      %swap3A_154 = vector.shape_cast %swap3A_153 : vector<16xi32> to vector<16xi32>
      %swap3A_155 = vector.shape_cast %get3A_151 : vector<16xi32> to vector<16xi32>
      tpu.vector_store %arg13[%swap3A_152], %swap3A_155 {strides = array<i32>} : memref<80xi32, #tpu.memory_space<vmem>>, vector<16xi32>,
      %add3A_156 = arith.constant 32 : i32
      %add3A_157 = arith.addi %mul3A_119, %add3A_156 : i32
      %get3A_158 = arith.index_cast %add3A_157 : i32 to index
      %get3A_159 = tpu.vector_load %arg10[%get3A_158] {strides = array<i32>} : memref<10000xi32, #tpu.memory_space<vmem>>, vector<16xi32>,
      %get3A_160 = vector.shape_cast %get3A_159 : vector<16xi32> to vector<16xi32>
      %swap3A_161 = arith.constant 32 : index
      %swap3A_162 = tpu.vector_load %arg12[%swap3A_161] {strides = array<i32>} : memref<80xi32, #tpu.memory_space<vmem>>, vector<16xi32>,
      %swap3A_163 = vector.shape_cast %swap3A_162 : vector<16xi32> to vector<16xi32>
      %swap3A_164 = vector.shape_cast %get3A_160 : vector<16xi32> to vector<16xi32>
      tpu.vector_store %arg12[%swap3A_161], %swap3A_164 {strides = array<i32>} : memref<80xi32, #tpu.memory_space<vmem>>, vector<16xi32>,
      %add3A_165 = arith.constant 32 : i32
      %add3A_166 = arith.addi %mul3A_119, %add3A_165 : i32
      %get3A_167 = arith.index_cast %add3A_166 : i32 to index
      %get3A_168 = tpu.vector_load %arg11[%get3A_167] {strides = array<i32>} : memref<10000xi32, #tpu.memory_space<vmem>>, vector<16xi32>,
      %get3A_169 = vector.shape_cast %get3A_168 : vector<16xi32> to vector<16xi32>
      %swap3A_170 = arith.constant 32 : index
      %swap3A_171 = tpu.vector_load %arg13[%swap3A_170] {strides = array<i32>} : memref<80xi32, #tpu.memory_space<vmem>>, vector<16xi32>,
      %swap3A_172 = vector.shape_cast %swap3A_171 : vector<16xi32> to vector<16xi32>
      %swap3A_173 = vector.shape_cast %get3A_169 : vector<16xi32> to vector<16xi32>
      tpu.vector_store %arg13[%swap3A_170], %swap3A_173 {strides = array<i32>} : memref<80xi32, #tpu.memory_space<vmem>>, vector<16xi32>,
      %add3A_174 = arith.constant 48 : i32
      %add3A_175 = arith.addi %mul3A_119, %add3A_174 : i32
      %get3A_176 = arith.index_cast %add3A_175 : i32 to index
      %get3A_177 = tpu.vector_load %arg10[%get3A_176] {strides = array<i32>} : memref<10000xi32, #tpu.memory_space<vmem>>, vector<16xi32>,
      %get3A_178 = vector.shape_cast %get3A_177 : vector<16xi32> to vector<16xi32>
      %swap3A_179 = arith.constant 48 : index
      %swap3A_180 = tpu.vector_load %arg12[%swap3A_179] {strides = array<i32>} : memref<80xi32, #tpu.memory_space<vmem>>, vector<16xi32>,
      %swap3A_181 = vector.shape_cast %swap3A_180 : vector<16xi32> to vector<16xi32>
      %swap3A_182 = vector.shape_cast %get3A_178 : vector<16xi32> to vector<16xi32>
      tpu.vector_store %arg12[%swap3A_179], %swap3A_182 {strides = array<i32>} : memref<80xi32, #tpu.memory_space<vmem>>, vector<16xi32>,
      %add3A_183 = arith.constant 48 : i32
      %add3A_184 = arith.addi %mul3A_119, %add3A_183 : i32
      %get3A_185 = arith.index_cast %add3A_184 : i32 to index
      %get3A_186 = tpu.vector_load %arg11[%get3A_185] {strides = array<i32>} : memref<10000xi32, #tpu.memory_space<vmem>>, vector<16xi32>,
      %get3A_187 = vector.shape_cast %get3A_186 : vector<16xi32> to vector<16xi32>
      %swap3A_188 = arith.constant 48 : index
      %swap3A_189 = tpu.vector_load %arg13[%swap3A_188] {strides = array<i32>} : memref<80xi32, #tpu.memory_space<vmem>>, vector<16xi32>,
      %swap3A_190 = vector.shape_cast %swap3A_189 : vector<16xi32> to vector<16xi32>
      %swap3A_191 = vector.shape_cast %get3A_187 : vector<16xi32> to vector<16xi32>
      tpu.vector_store %arg13[%swap3A_188], %swap3A_191 {strides = array<i32>} : memref<80xi32, #tpu.memory_space<vmem>>, vector<16xi32>,
      %add3A_192 = arith.constant 64 : i32
      %add3A_193 = arith.addi %mul3A_119, %add3A_192 : i32
      %get3A_194 = arith.index_cast %add3A_193 : i32 to index
      %get3A_195 = tpu.vector_load %arg10[%get3A_194] {strides = array<i32>} : memref<10000xi32, #tpu.memory_space<vmem>>, vector<16xi32>,
      %get3A_196 = vector.shape_cast %get3A_195 : vector<16xi32> to vector<16xi32>
      %swap3A_197 = arith.constant 64 : index
      %swap3A_198 = tpu.vector_load %arg12[%swap3A_197] {strides = array<i32>} : memref<80xi32, #tpu.memory_space<vmem>>, vector<16xi32>,
      %swap3A_199 = vector.shape_cast %swap3A_198 : vector<16xi32> to vector<16xi32>
      %swap3A_200 = vector.shape_cast %get3A_196 : vector<16xi32> to vector<16xi32>
      tpu.vector_store %arg12[%swap3A_197], %swap3A_200 {strides = array<i32>} : memref<80xi32, #tpu.memory_space<vmem>>, vector<16xi32>,
      %add3A_201 = arith.constant 64 : i32
      %add3A_202 = arith.addi %mul3A_119, %add3A_201 : i32
      %get3A_203 = arith.index_cast %add3A_202 : i32 to index
      %get3A_204 = tpu.vector_load %arg11[%get3A_203] {strides = array<i32>} : memref<10000xi32, #tpu.memory_space<vmem>>, vector<16xi32>,
      %get3A_205 = vector.shape_cast %get3A_204 : vector<16xi32> to vector<16xi32>
      %swap3A_206 = arith.constant 64 : index
      %swap3A_207 = tpu.vector_load %arg13[%swap3A_206] {strides = array<i32>} : memref<80xi32, #tpu.memory_space<vmem>>, vector<16xi32>,
      %swap3A_208 = vector.shape_cast %swap3A_207 : vector<16xi32> to vector<16xi32>
      %swap3A_209 = vector.shape_cast %get3A_205 : vector<16xi32> to vector<16xi32>
      tpu.vector_store %arg13[%swap3A_206], %swap3A_209 {strides = array<i32>} : memref<80xi32, #tpu.memory_space<vmem>>, vector<16xi32>,
      %dma_start3A_210 = arith.constant 0 : i32
      %dma_start3A_211 = arith.constant 0 : i32
      %dma_start3A_212 = tpu.memref_slice %arg2[%dma_start3A_210, %dma_start3A_211] : memref<10000x128xf32, #tpu.memory_space<hbm>> -> memref<10000x128xf32, #tpu.memory_space<hbm>>
      tpu.enqueue_indirect_dma source(%dma_start3A_212 : memref<10000x128xf32, #tpu.memory_space<hbm>>) target(%arg14 : memref<80x128xf32, #tpu.memory_space<vmem>>) offsets(%arg12 : memref<80xi32, #tpu.memory_space<vmem>>) semaphore(%arg15 : memref<!tpu.dma_semaphore, #tpu.memory_space<semaphore_mem>>)
      %dma_start3A_213 = arith.constant 0 : i32
      %dma_start3A_214 = tpu.memref_slice %arg5[%dma_start3A_213] : memref<10000xf32, #tpu.memory_space<hbm>> -> memref<10000xf32, #tpu.memory_space<hbm>>
      tpu.enqueue_indirect_dma source(%dma_start3A_214 : memref<10000xf32, #tpu.memory_space<hbm>>) target(%arg23 : memref<80xf32, #tpu.memory_space<vmem>>) offsets(%arg13 : memref<80xi32, #tpu.memory_space<vmem>>) semaphore(%arg24 : memref<!tpu.dma_semaphore, #tpu.memory_space<semaphore_mem>>)
      %add3A_215 = arith.constant 1 : i32
      %add3A_216 = arith.addi %mul3A_117, %add3A_215 : i32
      %mul3A_217 = arith.constant 80 : i32
      %mul3A_218 = arith.muli %add3A_216, %mul3A_217 : i32
      %add3A_219 = arith.constant 0 : i32
      %add3A_220 = arith.addi %mul3A_218, %add3A_219 : i32
      %get3A_221 = arith.index_cast %add3A_220 : i32 to index
      %get3A_222 = tpu.vector_load %arg10[%get3A_221] {strides = array<i32>} : memref<10000xi32, #tpu.memory_space<vmem>>, vector<16xi32>,
      %get3A_223 = vector.shape_cast %get3A_222 : vector<16xi32> to vector<16xi32>
      %swap3A_224 = arith.constant 0 : index
      %swap3A_225 = tpu.vector_load %arg17[%swap3A_224] {strides = array<i32>} : memref<80xi32, #tpu.memory_space<vmem>>, vector<16xi32>,
      %swap3A_226 = vector.shape_cast %swap3A_225 : vector<16xi32> to vector<16xi32>
      %swap3A_227 = vector.shape_cast %get3A_223 : vector<16xi32> to vector<16xi32>
      tpu.vector_store %arg17[%swap3A_224], %swap3A_227 {strides = array<i32>} : memref<80xi32, #tpu.memory_space<vmem>>, vector<16xi32>,
      %add3A_228 = arith.constant 0 : i32
      %add3A_229 = arith.addi %mul3A_218, %add3A_228 : i32
      %get3A_230 = arith.index_cast %add3A_229 : i32 to index
      %get3A_231 = tpu.vector_load %arg11[%get3A_230] {strides = array<i32>} : memref<10000xi32, #tpu.memory_space<vmem>>, vector<16xi32>,
      %get3A_232 = vector.shape_cast %get3A_231 : vector<16xi32> to vector<16xi32>
      %swap3A_233 = arith.constant 0 : index
      %swap3A_234 = tpu.vector_load %arg18[%swap3A_233] {strides = array<i32>} : memref<80xi32, #tpu.memory_space<vmem>>, vector<16xi32>,
      %swap3A_235 = vector.shape_cast %swap3A_234 : vector<16xi32> to vector<16xi32>
      %swap3A_236 = vector.shape_cast %get3A_232 : vector<16xi32> to vector<16xi32>
      tpu.vector_store %arg18[%swap3A_233], %swap3A_236 {strides = array<i32>} : memref<80xi32, #tpu.memory_space<vmem>>, vector<16xi32>,
      %add3A_237 = arith.constant 16 : i32
      %add3A_238 = arith.addi %mul3A_218, %add3A_237 : i32
      %get3A_239 = arith.index_cast %add3A_238 : i32 to index
      %get3A_240 = tpu.vector_load %arg10[%get3A_239] {strides = array<i32>} : memref<10000xi32, #tpu.memory_space<vmem>>, vector<16xi32>,
      %get3A_241 = vector.shape_cast %get3A_240 : vector<16xi32> to vector<16xi32>
      %swap3A_242 = arith.constant 16 : index
      %swap3A_243 = tpu.vector_load %arg17[%swap3A_242] {strides = array<i32>} : memref<80xi32, #tpu.memory_space<vmem>>, vector<16xi32>,
      %swap3A_244 = vector.shape_cast %swap3A_243 : vector<16xi32> to vector<16xi32>
      %swap3A_245 = vector.shape_cast %get3A_241 : vector<16xi32> to vector<16xi32>
      tpu.vector_store %arg17[%swap3A_242], %swap3A_245 {strides = array<i32>} : memref<80xi32, #tpu.memory_space<vmem>>, vector<16xi32>,
      %add3A_246 = arith.constant 16 : i32
      %add3A_247 = arith.addi %mul3A_218, %add3A_246 : i32
      %get3A_248 = arith.index_cast %add3A_247 : i32 to index
      %get3A_249 = tpu.vector_load %arg11[%get3A_248] {strides = array<i32>} : memref<10000xi32, #tpu.memory_space<vmem>>, vector<16xi32>,
      %get3A_250 = vector.shape_cast %get3A_249 : vector<16xi32> to vector<16xi32>
      %swap3A_251 = arith.constant 16 : index
      %swap3A_252 = tpu.vector_load %arg18[%swap3A_251] {strides = array<i32>} : memref<80xi32, #tpu.memory_space<vmem>>, vector<16xi32>,
      %swap3A_253 = vector.shape_cast %swap3A_252 : vector<16xi32> to vector<16xi32>
      %swap3A_254 = vector.shape_cast %get3A_250 : vector<16xi32> to vector<16xi32>
      tpu.vector_store %arg18[%swap3A_251], %swap3A_254 {strides = array<i32>} : memref<80xi32, #tpu.memory_space<vmem>>, vector<16xi32>,
      %add3A_255 = arith.constant 32 : i32
      %add3A_256 = arith.addi %mul3A_218, %add3A_255 : i32
      %get3A_257 = arith.index_cast %add3A_256 : i32 to index
      %get3A_258 = tpu.vector_load %arg10[%get3A_257] {strides = array<i32>} : memref<10000xi32, #tpu.memory_space<vmem>>, vector<16xi32>,
      %get3A_259 = vector.shape_cast %get3A_258 : vector<16xi32> to vector<16xi32>
      %swap3A_260 = arith.constant 32 : index
      %swap3A_261 = tpu.vector_load %arg17[%swap3A_260] {strides = array<i32>} : memref<80xi32, #tpu.memory_space<vmem>>, vector<16xi32>,
      %swap3A_262 = vector.shape_cast %swap3A_261 : vector<16xi32> to vector<16xi32>
      %swap3A_263 = vector.shape_cast %get3A_259 : vector<16xi32> to vector<16xi32>
      tpu.vector_store %arg17[%swap3A_260], %swap3A_263 {strides = array<i32>} : memref<80xi32, #tpu.memory_space<vmem>>, vector<16xi32>,
      %add3A_264 = arith.constant 32 : i32
      %add3A_265 = arith.addi %mul3A_218, %add3A_264 : i32
      %get3A_266 = arith.index_cast %add3A_265 : i32 to index
      %get3A_267 = tpu.vector_load %arg11[%get3A_266] {strides = array<i32>} : memref<10000xi32, #tpu.memory_space<vmem>>, vector<16xi32>,
      %get3A_268 = vector.shape_cast %get3A_267 : vector<16xi32> to vector<16xi32>
      %swap3A_269 = arith.constant 32 : index
      %swap3A_270 = tpu.vector_load %arg18[%swap3A_269] {strides = array<i32>} : memref<80xi32, #tpu.memory_space<vmem>>, vector<16xi32>,
      %swap3A_271 = vector.shape_cast %swap3A_270 : vector<16xi32> to vector<16xi32>
      %swap3A_272 = vector.shape_cast %get3A_268 : vector<16xi32> to vector<16xi32>
      tpu.vector_store %arg18[%swap3A_269], %swap3A_272 {strides = array<i32>} : memref<80xi32, #tpu.memory_space<vmem>>, vector<16xi32>,
      %add3A_273 = arith.constant 48 : i32
      %add3A_274 = arith.addi %mul3A_218, %add3A_273 : i32
      %get3A_275 = arith.index_cast %add3A_274 : i32 to index
      %get3A_276 = tpu.vector_load %arg10[%get3A_275] {strides = array<i32>} : memref<10000xi32, #tpu.memory_space<vmem>>, vector<16xi32>,
      %get3A_277 = vector.shape_cast %get3A_276 : vector<16xi32> to vector<16xi32>
      %swap3A_278 = arith.constant 48 : index
      %swap3A_279 = tpu.vector_load %arg17[%swap3A_278] {strides = array<i32>} : memref<80xi32, #tpu.memory_space<vmem>>, vector<16xi32>,
      %swap3A_280 = vector.shape_cast %swap3A_279 : vector<16xi32> to vector<16xi32>
      %swap3A_281 = vector.shape_cast %get3A_277 : vector<16xi32> to vector<16xi32>
      tpu.vector_store %arg17[%swap3A_278], %swap3A_281 {strides = array<i32>} : memref<80xi32, #tpu.memory_space<vmem>>, vector<16xi32>,
      %add3A_282 = arith.constant 48 : i32
      %add3A_283 = arith.addi %mul3A_218, %add3A_282 : i32
      %get3A_284 = arith.index_cast %add3A_283 : i32 to index
      %get3A_285 = tpu.vector_load %arg11[%get3A_284] {strides = array<i32>} : memref<10000xi32, #tpu.memory_space<vmem>>, vector<16xi32>,
      %get3A_286 = vector.shape_cast %get3A_285 : vector<16xi32> to vector<16xi32>
      %swap3A_287 = arith.constant 48 : index
      %swap3A_288 = tpu.vector_load %arg18[%swap3A_287] {strides = array<i32>} : memref<80xi32, #tpu.memory_space<vmem>>, vector<16xi32>,
      %swap3A_289 = vector.shape_cast %swap3A_288 : vector<16xi32> to vector<16xi32>
      %swap3A_290 = vector.shape_cast %get3A_286 : vector<16xi32> to vector<16xi32>
      tpu.vector_store %arg18[%swap3A_287], %swap3A_290 {strides = array<i32>} : memref<80xi32, #tpu.memory_space<vmem>>, vector<16xi32>,
      %add3A_291 = arith.constant 64 : i32
      %add3A_292 = arith.addi %mul3A_218, %add3A_291 : i32
      %get3A_293 = arith.index_cast %add3A_292 : i32 to index
      %get3A_294 = tpu.vector_load %arg10[%get3A_293] {strides = array<i32>} : memref<10000xi32, #tpu.memory_space<vmem>>, vector<16xi32>,
      %get3A_295 = vector.shape_cast %get3A_294 : vector<16xi32> to vector<16xi32>
      %swap3A_296 = arith.constant 64 : index
      %swap3A_297 = tpu.vector_load %arg17[%swap3A_296] {strides = array<i32>} : memref<80xi32, #tpu.memory_space<vmem>>, vector<16xi32>,
      %swap3A_298 = vector.shape_cast %swap3A_297 : vector<16xi32> to vector<16xi32>
      %swap3A_299 = vector.shape_cast %get3A_295 : vector<16xi32> to vector<16xi32>
      tpu.vector_store %arg17[%swap3A_296], %swap3A_299 {strides = array<i32>} : memref<80xi32, #tpu.memory_space<vmem>>, vector<16xi32>,
      %add3A_300 = arith.constant 64 : i32
      %add3A_301 = arith.addi %mul3A_218, %add3A_300 : i32
      %get3A_302 = arith.index_cast %add3A_301 : i32 to index
      %get3A_303 = tpu.vector_load %arg11[%get3A_302] {strides = array<i32>} : memref<10000xi32, #tpu.memory_space<vmem>>, vector<16xi32>,
      %get3A_304 = vector.shape_cast %get3A_303 : vector<16xi32> to vector<16xi32>
      %swap3A_305 = arith.constant 64 : index
      %swap3A_306 = tpu.vector_load %arg18[%swap3A_305] {strides = array<i32>} : memref<80xi32, #tpu.memory_space<vmem>>, vector<16xi32>,
      %swap3A_307 = vector.shape_cast %swap3A_306 : vector<16xi32> to vector<16xi32>
      %swap3A_308 = vector.shape_cast %get3A_304 : vector<16xi32> to vector<16xi32>
      tpu.vector_store %arg18[%swap3A_305], %swap3A_308 {strides = array<i32>} : memref<80xi32, #tpu.memory_space<vmem>>, vector<16xi32>,
      %dma_start3A_309 = arith.constant 0 : i32
      %dma_start3A_310 = arith.constant 0 : i32
      %dma_start3A_311 = tpu.memref_slice %arg2[%dma_start3A_309, %dma_start3A_310] : memref<10000x128xf32, #tpu.memory_space<hbm>> -> memref<10000x128xf32, #tpu.memory_space<hbm>>
      tpu.enqueue_indirect_dma source(%dma_start3A_311 : memref<10000x128xf32, #tpu.memory_space<hbm>>) target(%arg19 : memref<80x128xf32, #tpu.memory_space<vmem>>) offsets(%arg17 : memref<80xi32, #tpu.memory_space<vmem>>) semaphore(%arg20 : memref<!tpu.dma_semaphore, #tpu.memory_space<semaphore_mem>>)
      %dma_start3A_312 = arith.constant 0 : i32
      %dma_start3A_313 = tpu.memref_slice %arg5[%dma_start3A_312] : memref<10000xf32, #tpu.memory_space<hbm>> -> memref<10000xf32, #tpu.memory_space<hbm>>
      tpu.enqueue_indirect_dma source(%dma_start3A_313 : memref<10000xf32, #tpu.memory_space<hbm>>) target(%arg26 : memref<80xf32, #tpu.memory_space<vmem>>) offsets(%arg18 : memref<80xi32, #tpu.memory_space<vmem>>) semaphore(%arg27 : memref<!tpu.dma_semaphore, #tpu.memory_space<semaphore_mem>>)
      %dma_wait3A_314 = arith.constant 0 : i32
      %dma_wait3A_315 = arith.constant 0 : i32
      %dma_wait3A_316 = tpu.memref_slice %arg2[%dma_wait3A_314, %dma_wait3A_315] : memref<10000x128xf32, #tpu.memory_space<hbm>> -> memref<10000x128xf32, #tpu.memory_space<hbm>>
      tpu.wait_indirect_dma semaphore(%arg15 : memref<!tpu.dma_semaphore, #tpu.memory_space<semaphore_mem>>) src(%dma_wait3A_316 : memref<10000x128xf32, #tpu.memory_space<hbm>>) dst(%arg14 : memref<80x128xf32, #tpu.memory_space<vmem>>)
      %dma_wait3A_317 = arith.constant 0 : i32
      %dma_wait3A_318 = tpu.memref_slice %arg5[%dma_wait3A_317] : memref<10000xf32, #tpu.memory_space<hbm>> -> memref<10000xf32, #tpu.memory_space<hbm>>
      tpu.wait_indirect_dma semaphore(%arg24 : memref<!tpu.dma_semaphore, #tpu.memory_space<semaphore_mem>>) src(%dma_wait3A_318 : memref<10000xf32, #tpu.memory_space<hbm>>) dst(%arg23 : memref<80xf32, #tpu.memory_space<vmem>>)
      %dma_start3A_319 = arith.constant 0 : i32
      %dma_start3A_320 = arith.constant 0 : i32
      %dma_start3A_321 = tpu.memref_slice %arg22[%dma_start3A_319, %dma_start3A_320] : memref<10112x128xf32, #tpu.memory_space<vmem_shared>> -> memref<10112x128xf32, #tpu.memory_space<vmem_shared>>
      tpu.enqueue_indirect_dma source(%arg14 : memref<80x128xf32, #tpu.memory_space<vmem>>) target(%dma_start3A_321 : memref<10112x128xf32, #tpu.memory_space<vmem_shared>>) offsets(%arg13 : memref<80xi32, #tpu.memory_space<vmem>>) semaphore(%arg16 : memref<!tpu.dma_semaphore, #tpu.memory_space<semaphore_mem>>) {add = true}
      %dma_start3A_322 = arith.constant 0 : i32
      %dma_start3A_323 = tpu.memref_slice %arg29[%dma_start3A_322] : memref<10000xf32, #tpu.memory_space<vmem_shared>> -> memref<10000xf32, #tpu.memory_space<vmem_shared>>
      tpu.enqueue_indirect_dma source(%arg23 : memref<80xf32, #tpu.memory_space<vmem>>) target(%dma_start3A_323 : memref<10000xf32, #tpu.memory_space<vmem_shared>>) offsets(%arg12 : memref<80xi32, #tpu.memory_space<vmem>>) semaphore(%arg25 : memref<!tpu.dma_semaphore, #tpu.memory_space<semaphore_mem>>) {add = true}
      %dma_wait3A_324 = arith.constant 0 : i32
      %dma_wait3A_325 = arith.constant 0 : i32
      %dma_wait3A_326 = tpu.memref_slice %arg22[%dma_wait3A_324, %dma_wait3A_325] : memref<10112x128xf32, #tpu.memory_space<vmem_shared>> -> memref<10112x128xf32, #tpu.memory_space<vmem_shared>>
      tpu.wait_indirect_dma semaphore(%arg16 : memref<!tpu.dma_semaphore, #tpu.memory_space<semaphore_mem>>) src(%arg14 : memref<80x128xf32, #tpu.memory_space<vmem>>) dst(%dma_wait3A_326 : memref<10112x128xf32, #tpu.memory_space<vmem_shared>>)
      %dma_wait3A_327 = arith.constant 0 : i32
      %dma_wait3A_328 = tpu.memref_slice %arg29[%dma_wait3A_327] : memref<10000xf32, #tpu.memory_space<vmem_shared>> -> memref<10000xf32, #tpu.memory_space<vmem_shared>>
      tpu.wait_indirect_dma semaphore(%arg25 : memref<!tpu.dma_semaphore, #tpu.memory_space<semaphore_mem>>) src(%arg23 : memref<80xf32, #tpu.memory_space<vmem>>) dst(%dma_wait3A_328 : memref<10000xf32, #tpu.memory_space<vmem_shared>>)
      %dma_wait3A_329 = arith.constant 0 : i32
      %dma_wait3A_330 = arith.constant 0 : i32
      %dma_wait3A_331 = tpu.memref_slice %arg2[%dma_wait3A_329, %dma_wait3A_330] : memref<10000x128xf32, #tpu.memory_space<hbm>> -> memref<10000x128xf32, #tpu.memory_space<hbm>>
      tpu.wait_indirect_dma semaphore(%arg20 : memref<!tpu.dma_semaphore, #tpu.memory_space<semaphore_mem>>) src(%dma_wait3A_331 : memref<10000x128xf32, #tpu.memory_space<hbm>>) dst(%arg19 : memref<80x128xf32, #tpu.memory_space<vmem>>)
      %dma_wait3A_332 = arith.constant 0 : i32
      %dma_wait3A_333 = tpu.memref_slice %arg5[%dma_wait3A_332] : memref<10000xf32, #tpu.memory_space<hbm>> -> memref<10000xf32, #tpu.memory_space<hbm>>
      tpu.wait_indirect_dma semaphore(%arg27 : memref<!tpu.dma_semaphore, #tpu.memory_space<semaphore_mem>>) src(%dma_wait3A_333 : memref<10000xf32, #tpu.memory_space<hbm>>) dst(%arg26 : memref<80xf32, #tpu.memory_space<vmem>>)
      %dma_start3A_334 = arith.constant 0 : i32
      %dma_start3A_335 = arith.constant 0 : i32
      %dma_start3A_336 = tpu.memref_slice %arg22[%dma_start3A_334, %dma_start3A_335] : memref<10112x128xf32, #tpu.memory_space<vmem_shared>> -> memref<10112x128xf32, #tpu.memory_space<vmem_shared>>
      tpu.enqueue_indirect_dma source(%arg19 : memref<80x128xf32, #tpu.memory_space<vmem>>) target(%dma_start3A_336 : memref<10112x128xf32, #tpu.memory_space<vmem_shared>>) offsets(%arg18 : memref<80xi32, #tpu.memory_space<vmem>>) semaphore(%arg21 : memref<!tpu.dma_semaphore, #tpu.memory_space<semaphore_mem>>) {add = true}
      %dma_start3A_337 = arith.constant 0 : i32
      %dma_start3A_338 = tpu.memref_slice %arg29[%dma_start3A_337] : memref<10000xf32, #tpu.memory_space<vmem_shared>> -> memref<10000xf32, #tpu.memory_space<vmem_shared>>
      tpu.enqueue_indirect_dma source(%arg26 : memref<80xf32, #tpu.memory_space<vmem>>) target(%dma_start3A_338 : memref<10000xf32, #tpu.memory_space<vmem_shared>>) offsets(%arg17 : memref<80xi32, #tpu.memory_space<vmem>>) semaphore(%arg28 : memref<!tpu.dma_semaphore, #tpu.memory_space<semaphore_mem>>) {add = true}
      %dma_wait3A_339 = arith.constant 0 : i32
      %dma_wait3A_340 = arith.constant 0 : i32
      %dma_wait3A_341 = tpu.memref_slice %arg22[%dma_wait3A_339, %dma_wait3A_340] : memref<10112x128xf32, #tpu.memory_space<vmem_shared>> -> memref<10112x128xf32, #tpu.memory_space<vmem_shared>>
      tpu.wait_indirect_dma semaphore(%arg21 : memref<!tpu.dma_semaphore, #tpu.memory_space<semaphore_mem>>) src(%arg19 : memref<80x128xf32, #tpu.memory_space<vmem>>) dst(%dma_wait3A_341 : memref<10112x128xf32, #tpu.memory_space<vmem_shared>>)
      %dma_wait3A_342 = arith.constant 0 : i32
      %dma_wait3A_343 = tpu.memref_slice %arg29[%dma_wait3A_342] : memref<10000xf32, #tpu.memory_space<vmem_shared>> -> memref<10000xf32, #tpu.memory_space<vmem_shared>>
      tpu.wait_indirect_dma semaphore(%arg28 : memref<!tpu.dma_semaphore, #tpu.memory_space<semaphore_mem>>) src(%arg26 : memref<80xf32, #tpu.memory_space<vmem>>) dst(%dma_wait3A_343 : memref<10000xf32, #tpu.memory_space<vmem_shared>>)
    }
    %scan3A_14 = arith.constant 62 : i32
    %get3A = arith.constant 9920 : index
    %get3A_15 = tpu.vector_load %arg10[%get3A] {strides = array<i32>} : memref<10000xi32, #tpu.memory_space<vmem>>, vector<16xi32>,
    %get3A_16 = vector.shape_cast %get3A_15 : vector<16xi32> to vector<16xi32>
    %swap3A = arith.constant 0 : index
    %swap3A_17 = tpu.vector_load %arg12[%swap3A] {strides = array<i32>} : memref<80xi32, #tpu.memory_space<vmem>>, vector<16xi32>,
    %swap3A_18 = vector.shape_cast %swap3A_17 : vector<16xi32> to vector<16xi32>
    %swap3A_19 = vector.shape_cast %get3A_16 : vector<16xi32> to vector<16xi32>
    tpu.vector_store %arg12[%swap3A], %swap3A_19 {strides = array<i32>} : memref<80xi32, #tpu.memory_space<vmem>>, vector<16xi32>,
    %get3A_20 = arith.constant 9920 : index
    %get3A_21 = tpu.vector_load %arg11[%get3A_20] {strides = array<i32>} : memref<10000xi32, #tpu.memory_space<vmem>>, vector<16xi32>,
    %get3A_22 = vector.shape_cast %get3A_21 : vector<16xi32> to vector<16xi32>
    %swap3A_23 = arith.constant 0 : index
    %swap3A_24 = tpu.vector_load %arg13[%swap3A_23] {strides = array<i32>} : memref<80xi32, #tpu.memory_space<vmem>>, vector<16xi32>,
    %swap3A_25 = vector.shape_cast %swap3A_24 : vector<16xi32> to vector<16xi32>
    %swap3A_26 = vector.shape_cast %get3A_22 : vector<16xi32> to vector<16xi32>
    tpu.vector_store %arg13[%swap3A_23], %swap3A_26 {strides = array<i32>} : memref<80xi32, #tpu.memory_space<vmem>>, vector<16xi32>,
    %get3A_27 = arith.constant 9936 : index
    %get3A_28 = tpu.vector_load %arg10[%get3A_27] {strides = array<i32>} : memref<10000xi32, #tpu.memory_space<vmem>>, vector<16xi32>,
    %get3A_29 = vector.shape_cast %get3A_28 : vector<16xi32> to vector<16xi32>
    %swap3A_30 = arith.constant 16 : index
    %swap3A_31 = tpu.vector_load %arg12[%swap3A_30] {strides = array<i32>} : memref<80xi32, #tpu.memory_space<vmem>>, vector<16xi32>,
    %swap3A_32 = vector.shape_cast %swap3A_31 : vector<16xi32> to vector<16xi32>
    %swap3A_33 = vector.shape_cast %get3A_29 : vector<16xi32> to vector<16xi32>
    tpu.vector_store %arg12[%swap3A_30], %swap3A_33 {strides = array<i32>} : memref<80xi32, #tpu.memory_space<vmem>>, vector<16xi32>,
    %get3A_34 = arith.constant 9936 : index
    %get3A_35 = tpu.vector_load %arg11[%get3A_34] {strides = array<i32>} : memref<10000xi32, #tpu.memory_space<vmem>>, vector<16xi32>,
    %get3A_36 = vector.shape_cast %get3A_35 : vector<16xi32> to vector<16xi32>
    %swap3A_37 = arith.constant 16 : index
    %swap3A_38 = tpu.vector_load %arg13[%swap3A_37] {strides = array<i32>} : memref<80xi32, #tpu.memory_space<vmem>>, vector<16xi32>,
    %swap3A_39 = vector.shape_cast %swap3A_38 : vector<16xi32> to vector<16xi32>
    %swap3A_40 = vector.shape_cast %get3A_36 : vector<16xi32> to vector<16xi32>
    tpu.vector_store %arg13[%swap3A_37], %swap3A_40 {strides = array<i32>} : memref<80xi32, #tpu.memory_space<vmem>>, vector<16xi32>,
    %get3A_41 = arith.constant 9952 : index
    %get3A_42 = tpu.vector_load %arg10[%get3A_41] {strides = array<i32>} : memref<10000xi32, #tpu.memory_space<vmem>>, vector<16xi32>,
    %get3A_43 = vector.shape_cast %get3A_42 : vector<16xi32> to vector<16xi32>
    %swap3A_44 = arith.constant 32 : index
    %swap3A_45 = tpu.vector_load %arg12[%swap3A_44] {strides = array<i32>} : memref<80xi32, #tpu.memory_space<vmem>>, vector<16xi32>,
    %swap3A_46 = vector.shape_cast %swap3A_45 : vector<16xi32> to vector<16xi32>
    %swap3A_47 = vector.shape_cast %get3A_43 : vector<16xi32> to vector<16xi32>
    tpu.vector_store %arg12[%swap3A_44], %swap3A_47 {strides = array<i32>} : memref<80xi32, #tpu.memory_space<vmem>>, vector<16xi32>,
    %get3A_48 = arith.constant 9952 : index
    %get3A_49 = tpu.vector_load %arg11[%get3A_48] {strides = array<i32>} : memref<10000xi32, #tpu.memory_space<vmem>>, vector<16xi32>,
    %get3A_50 = vector.shape_cast %get3A_49 : vector<16xi32> to vector<16xi32>
    %swap3A_51 = arith.constant 32 : index
    %swap3A_52 = tpu.vector_load %arg13[%swap3A_51] {strides = array<i32>} : memref<80xi32, #tpu.memory_space<vmem>>, vector<16xi32>,
    %swap3A_53 = vector.shape_cast %swap3A_52 : vector<16xi32> to vector<16xi32>
    %swap3A_54 = vector.shape_cast %get3A_50 : vector<16xi32> to vector<16xi32>
    tpu.vector_store %arg13[%swap3A_51], %swap3A_54 {strides = array<i32>} : memref<80xi32, #tpu.memory_space<vmem>>, vector<16xi32>,
    %get3A_55 = arith.constant 9968 : index
    %get3A_56 = tpu.vector_load %arg10[%get3A_55] {strides = array<i32>} : memref<10000xi32, #tpu.memory_space<vmem>>, vector<16xi32>,
    %get3A_57 = vector.shape_cast %get3A_56 : vector<16xi32> to vector<16xi32>
    %swap3A_58 = arith.constant 48 : index
    %swap3A_59 = tpu.vector_load %arg12[%swap3A_58] {strides = array<i32>} : memref<80xi32, #tpu.memory_space<vmem>>, vector<16xi32>,
    %swap3A_60 = vector.shape_cast %swap3A_59 : vector<16xi32> to vector<16xi32>
    %swap3A_61 = vector.shape_cast %get3A_57 : vector<16xi32> to vector<16xi32>
    tpu.vector_store %arg12[%swap3A_58], %swap3A_61 {strides = array<i32>} : memref<80xi32, #tpu.memory_space<vmem>>, vector<16xi32>,
    %get3A_62 = arith.constant 9968 : index
    %get3A_63 = tpu.vector_load %arg11[%get3A_62] {strides = array<i32>} : memref<10000xi32, #tpu.memory_space<vmem>>, vector<16xi32>,
    %get3A_64 = vector.shape_cast %get3A_63 : vector<16xi32> to vector<16xi32>
    %swap3A_65 = arith.constant 48 : index
    %swap3A_66 = tpu.vector_load %arg13[%swap3A_65] {strides = array<i32>} : memref<80xi32, #tpu.memory_space<vmem>>, vector<16xi32>,
    %swap3A_67 = vector.shape_cast %swap3A_66 : vector<16xi32> to vector<16xi32>
    %swap3A_68 = vector.shape_cast %get3A_64 : vector<16xi32> to vector<16xi32>
    tpu.vector_store %arg13[%swap3A_65], %swap3A_68 {strides = array<i32>} : memref<80xi32, #tpu.memory_space<vmem>>, vector<16xi32>,
    %get3A_69 = arith.constant 9984 : index
    %get3A_70 = tpu.vector_load %arg10[%get3A_69] {strides = array<i32>} : memref<10000xi32, #tpu.memory_space<vmem>>, vector<16xi32>,
    %get3A_71 = vector.shape_cast %get3A_70 : vector<16xi32> to vector<16xi32>
    %swap3A_72 = arith.constant 64 : index
    %swap3A_73 = tpu.vector_load %arg12[%swap3A_72] {strides = array<i32>} : memref<80xi32, #tpu.memory_space<vmem>>, vector<16xi32>,
    %swap3A_74 = vector.shape_cast %swap3A_73 : vector<16xi32> to vector<16xi32>
    %swap3A_75 = vector.shape_cast %get3A_71 : vector<16xi32> to vector<16xi32>
    tpu.vector_store %arg12[%swap3A_72], %swap3A_75 {strides = array<i32>} : memref<80xi32, #tpu.memory_space<vmem>>, vector<16xi32>,
    %get3A_76 = arith.constant 9984 : index
    %get3A_77 = tpu.vector_load %arg11[%get3A_76] {strides = array<i32>} : memref<10000xi32, #tpu.memory_space<vmem>>, vector<16xi32>,
    %get3A_78 = vector.shape_cast %get3A_77 : vector<16xi32> to vector<16xi32>
    %swap3A_79 = arith.constant 64 : index
    %swap3A_80 = tpu.vector_load %arg13[%swap3A_79] {strides = array<i32>} : memref<80xi32, #tpu.memory_space<vmem>>, vector<16xi32>,
    %swap3A_81 = vector.shape_cast %swap3A_80 : vector<16xi32> to vector<16xi32>
    %swap3A_82 = vector.shape_cast %get3A_78 : vector<16xi32> to vector<16xi32>
    tpu.vector_store %arg13[%swap3A_79], %swap3A_82 {strides = array<i32>} : memref<80xi32, #tpu.memory_space<vmem>>, vector<16xi32>,
    %dma_start3A = arith.constant 0 : i32
    %dma_start3A_83 = arith.constant 0 : i32
    %dma_start3A_84 = tpu.memref_slice %arg2[%dma_start3A, %dma_start3A_83] : memref<10000x128xf32, #tpu.memory_space<hbm>> -> memref<10000x128xf32, #tpu.memory_space<hbm>>
    tpu.enqueue_indirect_dma source(%dma_start3A_84 : memref<10000x128xf32, #tpu.memory_space<hbm>>) target(%arg14 : memref<80x128xf32, #tpu.memory_space<vmem>>) offsets(%arg12 : memref<80xi32, #tpu.memory_space<vmem>>) semaphore(%arg15 : memref<!tpu.dma_semaphore, #tpu.memory_space<semaphore_mem>>)
    %dma_start3A_85 = arith.constant 0 : i32
    %dma_start3A_86 = tpu.memref_slice %arg5[%dma_start3A_85] : memref<10000xf32, #tpu.memory_space<hbm>> -> memref<10000xf32, #tpu.memory_space<hbm>>
    tpu.enqueue_indirect_dma source(%dma_start3A_86 : memref<10000xf32, #tpu.memory_space<hbm>>) target(%arg23 : memref<80xf32, #tpu.memory_space<vmem>>) offsets(%arg13 : memref<80xi32, #tpu.memory_space<vmem>>) semaphore(%arg24 : memref<!tpu.dma_semaphore, #tpu.memory_space<semaphore_mem>>)
    %dma_wait3A = arith.constant 0 : i32
    %dma_wait3A_87 = arith.constant 0 : i32
    %dma_wait3A_88 = tpu.memref_slice %arg2[%dma_wait3A, %dma_wait3A_87] : memref<10000x128xf32, #tpu.memory_space<hbm>> -> memref<10000x128xf32, #tpu.memory_space<hbm>>
    tpu.wait_indirect_dma semaphore(%arg15 : memref<!tpu.dma_semaphore, #tpu.memory_space<semaphore_mem>>) src(%dma_wait3A_88 : memref<10000x128xf32, #tpu.memory_space<hbm>>) dst(%arg14 : memref<80x128xf32, #tpu.memory_space<vmem>>)
    %dma_wait3A_89 = arith.constant 0 : i32
    %dma_wait3A_90 = tpu.memref_slice %arg5[%dma_wait3A_89] : memref<10000xf32, #tpu.memory_space<hbm>> -> memref<10000xf32, #tpu.memory_space<hbm>>
    tpu.wait_indirect_dma semaphore(%arg24 : memref<!tpu.dma_semaphore, #tpu.memory_space<semaphore_mem>>) src(%dma_wait3A_90 : memref<10000xf32, #tpu.memory_space<hbm>>) dst(%arg23 : memref<80xf32, #tpu.memory_space<vmem>>)
    %dma_start3A_91 = arith.constant 0 : i32
    %dma_start3A_92 = arith.constant 0 : i32
    %dma_start3A_93 = tpu.memref_slice %arg22[%dma_start3A_91, %dma_start3A_92] : memref<10112x128xf32, #tpu.memory_space<vmem_shared>> -> memref<10112x128xf32, #tpu.memory_space<vmem_shared>>
    tpu.enqueue_indirect_dma source(%arg14 : memref<80x128xf32, #tpu.memory_space<vmem>>) target(%dma_start3A_93 : memref<10112x128xf32, #tpu.memory_space<vmem_shared>>) offsets(%arg13 : memref<80xi32, #tpu.memory_space<vmem>>) semaphore(%arg16 : memref<!tpu.dma_semaphore, #tpu.memory_space<semaphore_mem>>) {add = true}
    %dma_start3A_94 = arith.constant 0 : i32
    %dma_start3A_95 = tpu.memref_slice %arg29[%dma_start3A_94] : memref<10000xf32, #tpu.memory_space<vmem_shared>> -> memref<10000xf32, #tpu.memory_space<vmem_shared>>
    tpu.enqueue_indirect_dma source(%arg23 : memref<80xf32, #tpu.memory_space<vmem>>) target(%dma_start3A_95 : memref<10000xf32, #tpu.memory_space<vmem_shared>>) offsets(%arg12 : memref<80xi32, #tpu.memory_space<vmem>>) semaphore(%arg25 : memref<!tpu.dma_semaphore, #tpu.memory_space<semaphore_mem>>) {add = true}
    %dma_wait3A_96 = arith.constant 0 : i32
    %dma_wait3A_97 = arith.constant 0 : i32
    %dma_wait3A_98 = tpu.memref_slice %arg22[%dma_wait3A_96, %dma_wait3A_97] : memref<10112x128xf32, #tpu.memory_space<vmem_shared>> -> memref<10112x128xf32, #tpu.memory_space<vmem_shared>>
    tpu.wait_indirect_dma semaphore(%arg16 : memref<!tpu.dma_semaphore, #tpu.memory_space<semaphore_mem>>) src(%arg14 : memref<80x128xf32, #tpu.memory_space<vmem>>) dst(%dma_wait3A_98 : memref<10112x128xf32, #tpu.memory_space<vmem_shared>>)
    %dma_wait3A_99 = arith.constant 0 : i32
    %dma_wait3A_100 = tpu.memref_slice %arg29[%dma_wait3A_99] : memref<10000xf32, #tpu.memory_space<vmem_shared>> -> memref<10000xf32, #tpu.memory_space<vmem_shared>>
    tpu.wait_indirect_dma semaphore(%arg25 : memref<!tpu.dma_semaphore, #tpu.memory_space<semaphore_mem>>) src(%arg23 : memref<80xf32, #tpu.memory_space<vmem>>) dst(%dma_wait3A_100 : memref<10000xf32, #tpu.memory_space<vmem_shared>>)
    %barrier3A_101 = arith.constant 0 : index
    tpu.barrier barrier_id(%barrier3A_101)
    %mul3A_102 = arith.constant 632 : i32
    %mul3A_103 = arith.muli %arg1, %mul3A_102 : i32
    %mul3A_104 = arith.constant 632 : i32
    %mul3A_105 = arith.muli %arg1, %mul3A_104 : i32
    "tpu.region"() ({
      %run_scoped3A = tpu.sem_alloc : memref<!tpu.dma_semaphore, #tpu.memory_space<semaphore_mem>>
      %dma_start3A_111 = arith.constant 0 : i32
      %dma_start3A_112 = tpu.memref_slice %arg8[%arg0, %mul3A_105, %dma_start3A_111] : memref<2x10112x128xf32, #tpu.memory_space<hbm>> -> memref<1x632x128xf32, #tpu.memory_space<hbm>>
      %dma_start3A_113 = tpu.memref_squeeze %dma_start3A_112 : memref<1x632x128xf32, #tpu.memory_space<hbm>> -> memref<632x128xf32, #tpu.memory_space<hbm>>
      %dma_start3A_114 = arith.constant 0 : i32
      %dma_start3A_115 = tpu.memref_slice %arg22[%mul3A_103, %dma_start3A_114] : memref<10112x128xf32, #tpu.memory_space<vmem_shared>> -> memref<632x128xf32, #tpu.memory_space<vmem_shared>>
      tpu.enqueue_dma source(%dma_start3A_115 : memref<632x128xf32, #tpu.memory_space<vmem_shared>>) target(%dma_start3A_113 : memref<632x128xf32, #tpu.memory_space<hbm>>) target_semaphore(%run_scoped3A : memref<!tpu.dma_semaphore, #tpu.memory_space<semaphore_mem>>)
      %dma_wait3A_116 = arith.constant 0 : i32
      %dma_wait3A_117 = tpu.memref_slice %arg8[%arg0, %mul3A_105, %dma_wait3A_116] : memref<2x10112x128xf32, #tpu.memory_space<hbm>> -> memref<1x632x128xf32, #tpu.memory_space<hbm>>
      %dma_wait3A_118 = tpu.memref_squeeze %dma_wait3A_117 : memref<1x632x128xf32, #tpu.memory_space<hbm>> -> memref<632x128xf32, #tpu.memory_space<hbm>>
      %dma_wait3A_119 = arith.constant 0 : i32
      %dma_wait3A_120 = tpu.memref_slice %arg22[%mul3A_103, %dma_wait3A_119] : memref<10112x128xf32, #tpu.memory_space<vmem_shared>> -> memref<632x128xf32, #tpu.memory_space<vmem_shared>>
      tpu.wait_dma2 semaphore(%run_scoped3A : memref<!tpu.dma_semaphore, #tpu.memory_space<semaphore_mem>>) src(%dma_wait3A_120 : memref<632x128xf32, #tpu.memory_space<vmem_shared>>) dst(%dma_wait3A_118 : memref<632x128xf32, #tpu.memory_space<hbm>>)
      tpu.yield
    }) : () -> ()
    %eq3A_106 = arith.constant 0 : i32
    %eq3A_107 = arith.cmpi eq, %arg1, %eq3A_106 : i32
    %convert_element_type3A_108 = arith.extui %eq3A_107 : i1 to i32
    %cond3A_109 = arith.constant 0 : i32
    %cond3A_110 = arith.cmpi ne, %convert_element_type3A_108, %cond3A_109 : i32
    scf.if %cond3A_110 {
      %run_scoped3A = arith.constant 0 : i32
      "tpu.region"() ({
        %run_scoped3A_111 = tpu.sem_alloc : memref<!tpu.dma_semaphore, #tpu.memory_space<semaphore_mem>>
        %dma_start3A_112 = arith.constant 0 : i32
        %dma_start3A_113 = tpu.memref_slice %arg9[%arg0, %run_scoped3A, %dma_start3A_112] : memref<2x1x10000xf32, #tpu.memory_space<hbm>> -> memref<1x1x10000xf32, #tpu.memory_space<hbm>>
        %dma_start3A_114 = tpu.memref_squeeze %dma_start3A_113 : memref<1x1x10000xf32, #tpu.memory_space<hbm>> -> memref<10000xf32, #tpu.memory_space<hbm>>
        tpu.enqueue_dma source(%arg29 : memref<10000xf32, #tpu.memory_space<vmem_shared>>) target(%dma_start3A_114 : memref<10000xf32, #tpu.memory_space<hbm>>) target_semaphore(%run_scoped3A_111 : memref<!tpu.dma_semaphore, #tpu.memory_space<semaphore_mem>>)
        %dma_wait3A_115 = arith.constant 0 : i32
        %dma_wait3A_116 = tpu.memref_slice %arg9[%arg0, %run_scoped3A, %dma_wait3A_115] : memref<2x1x10000xf32, #tpu.memory_space<hbm>> -> memref<1x1x10000xf32, #tpu.memory_space<hbm>>
        %dma_wait3A_117 = tpu.memref_squeeze %dma_wait3A_116 : memref<1x1x10000xf32, #tpu.memory_space<hbm>> -> memref<10000xf32, #tpu.memory_space<hbm>>
        tpu.wait_dma2 semaphore(%run_scoped3A_111 : memref<!tpu.dma_semaphore, #tpu.memory_space<semaphore_mem>>) src(%arg29 : memref<10000xf32, #tpu.memory_space<vmem_shared>>) dst(%dma_wait3A_117 : memref<10000xf32, #tpu.memory_space<hbm>>)
        tpu.yield
      }) : () -> ()
    } else {
    }
    return
  }
}

#map = affine_map<(d0, d1) -> (0)>
#map1 = affine_map<(d0, d1) -> (0, 0, 0)>
module attributes {stable_mosaic.version = 14 : i64} {
  func.func @deg_kernel(%arg0: i32, %arg1: i32, %arg2: memref<320000xi32, #tpu.memory_space<hbm>>, %arg3: memref<10000xf32, #tpu.memory_space<hbm>>, %arg4: memref<2x1x10000xf32, #tpu.memory_space<hbm>>, %arg5: memref<10000xi32, #tpu.memory_space<vmem>>, %arg6: memref<80xi32, #tpu.memory_space<vmem>>, %arg7: memref<80xf32, #tpu.memory_space<vmem>>, %arg8: memref<10000xf32, #tpu.memory_space<vmem_shared>>) attributes {dimension_semantics = [#tpu.dimension_semantics<core_parallel>, #tpu.dimension_semantics<subcore_parallel>], iteration_bounds = array<i64: 2, 16>, scalar_prefetch = 0 : i64, scratch_operands = 4 : i64, tpu.core_type = #tpu.core_type<sc_vector_subcore>, window_params = [{transform_indices = #map}, {transform_indices = #map}, {transform_indices = #map1}]} {
    %mul3A = arith.constant 16 : i32
    %mul3A_0 = arith.muli %arg0, %mul3A : i32
    %add3A = arith.addi %mul3A_0, %arg1 : i32
    %eq3A = arith.constant 0 : i32
    %eq3A_1 = arith.cmpi eq, %arg1, %eq3A : i32
    %convert_element_type3A = arith.extui %eq3A_1 : i1 to i32
    %cond3A = arith.constant 0 : i32
    %cond3A_2 = arith.cmpi ne, %convert_element_type3A, %cond3A : i32
    scf.if %cond3A_2 {
      "tpu.region"() ({
        %run_scoped3A = tpu.sem_alloc : memref<!tpu.dma_semaphore, #tpu.memory_space<semaphore_mem>>
        tpu.enqueue_dma source(%arg3 : memref<10000xf32, #tpu.memory_space<hbm>>) target(%arg8 : memref<10000xf32, #tpu.memory_space<vmem_shared>>) target_semaphore(%run_scoped3A : memref<!tpu.dma_semaphore, #tpu.memory_space<semaphore_mem>>)
        tpu.wait_dma2 semaphore(%run_scoped3A : memref<!tpu.dma_semaphore, #tpu.memory_space<semaphore_mem>>) src(%arg3 : memref<10000xf32, #tpu.memory_space<hbm>>) dst(%arg8 : memref<10000xf32, #tpu.memory_space<vmem_shared>>)
        tpu.yield
      }) : () -> ()
    } else {
    }
    %mul3A_3 = arith.constant 10000 : i32
    %mul3A_4 = arith.muli %add3A, %mul3A_3 : i32
    "tpu.region"() ({
      %run_scoped3A = tpu.sem_alloc : memref<!tpu.dma_semaphore, #tpu.memory_space<semaphore_mem>>
      %dma_start3A = tpu.memref_slice %arg2[%mul3A_4] : memref<320000xi32, #tpu.memory_space<hbm>> -> memref<10000xi32, #tpu.memory_space<hbm>>
      %dma_start3A_43 = tpu.memref_slice %arg2[%mul3A_4] : memref<320000xi32, #tpu.memory_space<hbm>> -> memref<10000xi32, #tpu.memory_space<hbm>>
      tpu.enqueue_dma source(%dma_start3A_43 : memref<10000xi32, #tpu.memory_space<hbm>>) target(%arg5 : memref<10000xi32, #tpu.memory_space<vmem>>) target_semaphore(%run_scoped3A : memref<!tpu.dma_semaphore, #tpu.memory_space<semaphore_mem>>)
      %dma_wait3A = tpu.memref_slice %arg2[%mul3A_4] : memref<320000xi32, #tpu.memory_space<hbm>> -> memref<10000xi32, #tpu.memory_space<hbm>>
      %dma_wait3A_44 = tpu.memref_slice %arg2[%mul3A_4] : memref<320000xi32, #tpu.memory_space<hbm>> -> memref<10000xi32, #tpu.memory_space<hbm>>
      tpu.wait_dma2 semaphore(%run_scoped3A : memref<!tpu.dma_semaphore, #tpu.memory_space<semaphore_mem>>) src(%dma_wait3A_44 : memref<10000xi32, #tpu.memory_space<hbm>>) dst(%arg5 : memref<10000xi32, #tpu.memory_space<vmem>>)
      tpu.yield
    }) : () -> ()
    %broadcast_in_dim3A = arith.constant 1.000000e+00 : f32
    %broadcast_in_dim3A_5 = vector.broadcast %broadcast_in_dim3A : f32 to vector<16xf32>
    %swap3A = arith.constant 0 : index
    %swap3A_6 = tpu.vector_load %arg7[%swap3A] {strides = array<i32>} : memref<80xf32, #tpu.memory_space<vmem>>, vector<16xf32>,
    %swap3A_7 = vector.shape_cast %swap3A_6 : vector<16xf32> to vector<16xf32>
    %swap3A_8 = vector.shape_cast %broadcast_in_dim3A_5 : vector<16xf32> to vector<16xf32>
    tpu.vector_store %arg7[%swap3A], %swap3A_8 {strides = array<i32>} : memref<80xf32, #tpu.memory_space<vmem>>, vector<16xf32>,
    %broadcast_in_dim3A_9 = arith.constant 1.000000e+00 : f32
    %broadcast_in_dim3A_10 = vector.broadcast %broadcast_in_dim3A_9 : f32 to vector<16xf32>
    %swap3A_11 = arith.constant 16 : index
    %swap3A_12 = tpu.vector_load %arg7[%swap3A_11] {strides = array<i32>} : memref<80xf32, #tpu.memory_space<vmem>>, vector<16xf32>,
    %swap3A_13 = vector.shape_cast %swap3A_12 : vector<16xf32> to vector<16xf32>
    %swap3A_14 = vector.shape_cast %broadcast_in_dim3A_10 : vector<16xf32> to vector<16xf32>
    tpu.vector_store %arg7[%swap3A_11], %swap3A_14 {strides = array<i32>} : memref<80xf32, #tpu.memory_space<vmem>>, vector<16xf32>,
    %broadcast_in_dim3A_15 = arith.constant 1.000000e+00 : f32
    %broadcast_in_dim3A_16 = vector.broadcast %broadcast_in_dim3A_15 : f32 to vector<16xf32>
    %swap3A_17 = arith.constant 32 : index
    %swap3A_18 = tpu.vector_load %arg7[%swap3A_17] {strides = array<i32>} : memref<80xf32, #tpu.memory_space<vmem>>, vector<16xf32>,
    %swap3A_19 = vector.shape_cast %swap3A_18 : vector<16xf32> to vector<16xf32>
    %swap3A_20 = vector.shape_cast %broadcast_in_dim3A_16 : vector<16xf32> to vector<16xf32>
    tpu.vector_store %arg7[%swap3A_17], %swap3A_20 {strides = array<i32>} : memref<80xf32, #tpu.memory_space<vmem>>, vector<16xf32>,
    %broadcast_in_dim3A_21 = arith.constant 1.000000e+00 : f32
    %broadcast_in_dim3A_22 = vector.broadcast %broadcast_in_dim3A_21 : f32 to vector<16xf32>
    %swap3A_23 = arith.constant 48 : index
    %swap3A_24 = tpu.vector_load %arg7[%swap3A_23] {strides = array<i32>} : memref<80xf32, #tpu.memory_space<vmem>>, vector<16xf32>,
    %swap3A_25 = vector.shape_cast %swap3A_24 : vector<16xf32> to vector<16xf32>
    %swap3A_26 = vector.shape_cast %broadcast_in_dim3A_22 : vector<16xf32> to vector<16xf32>
    tpu.vector_store %arg7[%swap3A_23], %swap3A_26 {strides = array<i32>} : memref<80xf32, #tpu.memory_space<vmem>>, vector<16xf32>,
    %broadcast_in_dim3A_27 = arith.constant 1.000000e+00 : f32
    %broadcast_in_dim3A_28 = vector.broadcast %broadcast_in_dim3A_27 : f32 to vector<16xf32>
    %swap3A_29 = arith.constant 64 : index
    %swap3A_30 = tpu.vector_load %arg7[%swap3A_29] {strides = array<i32>} : memref<80xf32, #tpu.memory_space<vmem>>, vector<16xf32>,
    %swap3A_31 = vector.shape_cast %swap3A_30 : vector<16xf32> to vector<16xf32>
    %swap3A_32 = vector.shape_cast %broadcast_in_dim3A_28 : vector<16xf32> to vector<16xf32>
    tpu.vector_store %arg7[%swap3A_29], %swap3A_32 {strides = array<i32>} : memref<80xf32, #tpu.memory_space<vmem>>, vector<16xf32>,
    %barrier3A = arith.constant 0 : index
    tpu.barrier barrier_id(%barrier3A)
    %scan3A = arith.constant 0 : i32
    %scan3A_33 = arith.constant 125 : i32
    %scan3A_34 = arith.addi %scan3A, %scan3A_33 : i32
    %scan3A_35 = arith.constant 1 : i32
    scf.for %scan3A_43 = %scan3A to %scan3A_34 step %scan3A_35  : i32 {
      %mul3A_44 = arith.constant 1 : i32
      %mul3A_45 = arith.muli %scan3A_43, %mul3A_44 : i32
      %add3A_46 = arith.constant 0 : i32
      %add3A_47 = arith.addi %add3A_46, %mul3A_45 : i32
      %mul3A_48 = arith.constant 80 : i32
      %mul3A_49 = arith.muli %add3A_47, %mul3A_48 : i32
      %add3A_50 = arith.constant 0 : i32
      %add3A_51 = arith.addi %mul3A_49, %add3A_50 : i32
      %get3A = arith.index_cast %add3A_51 : i32 to index
      %get3A_52 = tpu.vector_load %arg5[%get3A] {strides = array<i32>} : memref<10000xi32, #tpu.memory_space<vmem>>, vector<16xi32>,
      %get3A_53 = vector.shape_cast %get3A_52 : vector<16xi32> to vector<16xi32>
      %swap3A_54 = arith.constant 0 : index
      %swap3A_55 = tpu.vector_load %arg6[%swap3A_54] {strides = array<i32>} : memref<80xi32, #tpu.memory_space<vmem>>, vector<16xi32>,
      %swap3A_56 = vector.shape_cast %swap3A_55 : vector<16xi32> to vector<16xi32>
      %swap3A_57 = vector.shape_cast %get3A_53 : vector<16xi32> to vector<16xi32>
      tpu.vector_store %arg6[%swap3A_54], %swap3A_57 {strides = array<i32>} : memref<80xi32, #tpu.memory_space<vmem>>, vector<16xi32>,
      %add3A_58 = arith.constant 16 : i32
      %add3A_59 = arith.addi %mul3A_49, %add3A_58 : i32
      %get3A_60 = arith.index_cast %add3A_59 : i32 to index
      %get3A_61 = tpu.vector_load %arg5[%get3A_60] {strides = array<i32>} : memref<10000xi32, #tpu.memory_space<vmem>>, vector<16xi32>,
      %get3A_62 = vector.shape_cast %get3A_61 : vector<16xi32> to vector<16xi32>
      %swap3A_63 = arith.constant 16 : index
      %swap3A_64 = tpu.vector_load %arg6[%swap3A_63] {strides = array<i32>} : memref<80xi32, #tpu.memory_space<vmem>>, vector<16xi32>,
      %swap3A_65 = vector.shape_cast %swap3A_64 : vector<16xi32> to vector<16xi32>
      %swap3A_66 = vector.shape_cast %get3A_62 : vector<16xi32> to vector<16xi32>
      tpu.vector_store %arg6[%swap3A_63], %swap3A_66 {strides = array<i32>} : memref<80xi32, #tpu.memory_space<vmem>>, vector<16xi32>,
      %add3A_67 = arith.constant 32 : i32
      %add3A_68 = arith.addi %mul3A_49, %add3A_67 : i32
      %get3A_69 = arith.index_cast %add3A_68 : i32 to index
      %get3A_70 = tpu.vector_load %arg5[%get3A_69] {strides = array<i32>} : memref<10000xi32, #tpu.memory_space<vmem>>, vector<16xi32>,
      %get3A_71 = vector.shape_cast %get3A_70 : vector<16xi32> to vector<16xi32>
      %swap3A_72 = arith.constant 32 : index
      %swap3A_73 = tpu.vector_load %arg6[%swap3A_72] {strides = array<i32>} : memref<80xi32, #tpu.memory_space<vmem>>, vector<16xi32>,
      %swap3A_74 = vector.shape_cast %swap3A_73 : vector<16xi32> to vector<16xi32>
      %swap3A_75 = vector.shape_cast %get3A_71 : vector<16xi32> to vector<16xi32>
      tpu.vector_store %arg6[%swap3A_72], %swap3A_75 {strides = array<i32>} : memref<80xi32, #tpu.memory_space<vmem>>, vector<16xi32>,
      %add3A_76 = arith.constant 48 : i32
      %add3A_77 = arith.addi %mul3A_49, %add3A_76 : i32
      %get3A_78 = arith.index_cast %add3A_77 : i32 to index
      %get3A_79 = tpu.vector_load %arg5[%get3A_78] {strides = array<i32>} : memref<10000xi32, #tpu.memory_space<vmem>>, vector<16xi32>,
      %get3A_80 = vector.shape_cast %get3A_79 : vector<16xi32> to vector<16xi32>
      %swap3A_81 = arith.constant 48 : index
      %swap3A_82 = tpu.vector_load %arg6[%swap3A_81] {strides = array<i32>} : memref<80xi32, #tpu.memory_space<vmem>>, vector<16xi32>,
      %swap3A_83 = vector.shape_cast %swap3A_82 : vector<16xi32> to vector<16xi32>
      %swap3A_84 = vector.shape_cast %get3A_80 : vector<16xi32> to vector<16xi32>
      tpu.vector_store %arg6[%swap3A_81], %swap3A_84 {strides = array<i32>} : memref<80xi32, #tpu.memory_space<vmem>>, vector<16xi32>,
      %add3A_85 = arith.constant 64 : i32
      %add3A_86 = arith.addi %mul3A_49, %add3A_85 : i32
      %get3A_87 = arith.index_cast %add3A_86 : i32 to index
      %get3A_88 = tpu.vector_load %arg5[%get3A_87] {strides = array<i32>} : memref<10000xi32, #tpu.memory_space<vmem>>, vector<16xi32>,
      %get3A_89 = vector.shape_cast %get3A_88 : vector<16xi32> to vector<16xi32>
      %swap3A_90 = arith.constant 64 : index
      %swap3A_91 = tpu.vector_load %arg6[%swap3A_90] {strides = array<i32>} : memref<80xi32, #tpu.memory_space<vmem>>, vector<16xi32>,
      %swap3A_92 = vector.shape_cast %swap3A_91 : vector<16xi32> to vector<16xi32>
      %swap3A_93 = vector.shape_cast %get3A_89 : vector<16xi32> to vector<16xi32>
      tpu.vector_store %arg6[%swap3A_90], %swap3A_93 {strides = array<i32>} : memref<80xi32, #tpu.memory_space<vmem>>, vector<16xi32>,
      "tpu.region"() ({
        %run_scoped3A = tpu.sem_alloc : memref<!tpu.dma_semaphore, #tpu.memory_space<semaphore_mem>>
        %dma_start3A = arith.constant 0 : i32
        %dma_start3A_94 = tpu.memref_slice %arg8[%dma_start3A] : memref<10000xf32, #tpu.memory_space<vmem_shared>> -> memref<10000xf32, #tpu.memory_space<vmem_shared>>
        tpu.enqueue_indirect_dma source(%arg7 : memref<80xf32, #tpu.memory_space<vmem>>) target(%dma_start3A_94 : memref<10000xf32, #tpu.memory_space<vmem_shared>>) offsets(%arg6 : memref<80xi32, #tpu.memory_space<vmem>>) semaphore(%run_scoped3A : memref<!tpu.dma_semaphore, #tpu.memory_space<semaphore_mem>>) {add = true}
        %dma_wait3A = arith.constant 0 : i32
        %dma_wait3A_95 = tpu.memref_slice %arg8[%dma_wait3A] : memref<10000xf32, #tpu.memory_space<vmem_shared>> -> memref<10000xf32, #tpu.memory_space<vmem_shared>>
        tpu.wait_indirect_dma semaphore(%run_scoped3A : memref<!tpu.dma_semaphore, #tpu.memory_space<semaphore_mem>>) src(%arg7 : memref<80xf32, #tpu.memory_space<vmem>>) dst(%dma_wait3A_95 : memref<10000xf32, #tpu.memory_space<vmem_shared>>)
        tpu.yield
      }) : () -> ()
    }
    %scan3A_36 = arith.constant 125 : i32
    %barrier3A_37 = arith.constant 0 : index
    tpu.barrier barrier_id(%barrier3A_37)
    %eq3A_38 = arith.constant 0 : i32
    %eq3A_39 = arith.cmpi eq, %arg1, %eq3A_38 : i32
    %convert_element_type3A_40 = arith.extui %eq3A_39 : i1 to i32
    %cond3A_41 = arith.constant 0 : i32
    %cond3A_42 = arith.cmpi ne, %convert_element_type3A_40, %cond3A_41 : i32
    scf.if %cond3A_42 {
      %run_scoped3A = arith.constant 0 : i32
      "tpu.region"() ({
        %run_scoped3A_43 = tpu.sem_alloc : memref<!tpu.dma_semaphore, #tpu.memory_space<semaphore_mem>>
        %dma_start3A = arith.constant 0 : i32
        %dma_start3A_44 = tpu.memref_slice %arg4[%arg0, %run_scoped3A, %dma_start3A] : memref<2x1x10000xf32, #tpu.memory_space<hbm>> -> memref<1x1x10000xf32, #tpu.memory_space<hbm>>
        %dma_start3A_45 = tpu.memref_squeeze %dma_start3A_44 : memref<1x1x10000xf32, #tpu.memory_space<hbm>> -> memref<10000xf32, #tpu.memory_space<hbm>>
        tpu.enqueue_dma source(%arg8 : memref<10000xf32, #tpu.memory_space<vmem_shared>>) target(%dma_start3A_45 : memref<10000xf32, #tpu.memory_space<hbm>>) target_semaphore(%run_scoped3A_43 : memref<!tpu.dma_semaphore, #tpu.memory_space<semaphore_mem>>)
        %dma_wait3A = arith.constant 0 : i32
        %dma_wait3A_46 = tpu.memref_slice %arg4[%arg0, %run_scoped3A, %dma_wait3A] : memref<2x1x10000xf32, #tpu.memory_space<hbm>> -> memref<1x1x10000xf32, #tpu.memory_space<hbm>>
        %dma_wait3A_47 = tpu.memref_squeeze %dma_wait3A_46 : memref<1x1x10000xf32, #tpu.memory_space<hbm>> -> memref<10000xf32, #tpu.memory_space<hbm>>
        tpu.wait_dma2 semaphore(%run_scoped3A_43 : memref<!tpu.dma_semaphore, #tpu.memory_space<semaphore_mem>>) src(%arg8 : memref<10000xf32, #tpu.memory_space<vmem_shared>>) dst(%dma_wait3A_47 : memref<10000xf32, #tpu.memory_space<hbm>>)
        tpu.yield
      }) : () -> ()
    } else {
    }
    return
  }
}

#map = affine_map<(d0, d1) -> (0, 0)>
#map1 = affine_map<(d0, d1) -> (0)>
#map2 = affine_map<(d0, d1) -> (0, 0, 0)>
module attributes {stable_mosaic.version = 14 : i64} {
  func.func @body(%arg0: i32, %arg1: i32, %arg2: memref<10000x128xf32, #tpu.memory_space<hbm>>, %arg3: memref<320000xi32, #tpu.memory_space<hbm>>, %arg4: memref<320000xi32, #tpu.memory_space<hbm>>, %arg5: memref<10112x128xf32, #tpu.memory_space<hbm>>, %arg6: memref<2x10112x128xf32, #tpu.memory_space<hbm>>, %arg7: memref<10000xi32, #tpu.memory_space<vmem>>, %arg8: memref<10000xi32, #tpu.memory_space<vmem>>, %arg9: memref<80xi32, #tpu.memory_space<vmem>>, %arg10: memref<80xi32, #tpu.memory_space<vmem>>, %arg11: memref<80x128xf32, #tpu.memory_space<vmem>>, %arg12: memref<!tpu.dma_semaphore, #tpu.memory_space<semaphore_mem>>, %arg13: memref<!tpu.dma_semaphore, #tpu.memory_space<semaphore_mem>>, %arg14: memref<80xi32, #tpu.memory_space<vmem>>, %arg15: memref<80xi32, #tpu.memory_space<vmem>>, %arg16: memref<80x128xf32, #tpu.memory_space<vmem>>, %arg17: memref<!tpu.dma_semaphore, #tpu.memory_space<semaphore_mem>>, %arg18: memref<!tpu.dma_semaphore, #tpu.memory_space<semaphore_mem>>, %arg19: memref<10112x128xf32, #tpu.memory_space<vmem_shared>>) attributes {dimension_semantics = [#tpu.dimension_semantics<core_parallel>, #tpu.dimension_semantics<subcore_parallel>], iteration_bounds = array<i64: 2, 16>, scalar_prefetch = 0 : i64, scratch_operands = 13 : i64, tpu.core_type = #tpu.core_type<sc_vector_subcore>, window_params = [{transform_indices = #map}, {transform_indices = #map1}, {transform_indices = #map1}, {transform_indices = #map}, {transform_indices = #map2}]} {
    %mul3A = arith.constant 16 : i32
    %mul3A_0 = arith.muli %arg0, %mul3A : i32
    %add3A = arith.addi %mul3A_0, %arg1 : i32
    %mul3A_1 = arith.constant 632 : i32
    %mul3A_2 = arith.muli %arg1, %mul3A_1 : i32
    %mul3A_3 = arith.constant 632 : i32
    %mul3A_4 = arith.muli %arg1, %mul3A_3 : i32
    "tpu.region"() ({
      %run_scoped3A = tpu.sem_alloc : memref<!tpu.dma_semaphore, #tpu.memory_space<semaphore_mem>>
      %dma_start3A_96 = arith.constant 0 : i32
      %dma_start3A_97 = tpu.memref_slice %arg19[%mul3A_4, %dma_start3A_96] : memref<10112x128xf32, #tpu.memory_space<vmem_shared>> -> memref<632x128xf32, #tpu.memory_space<vmem_shared>>
      %dma_start3A_98 = arith.constant 0 : i32
      %dma_start3A_99 = tpu.memref_slice %arg5[%mul3A_2, %dma_start3A_98] : memref<10112x128xf32, #tpu.memory_space<hbm>> -> memref<632x128xf32, #tpu.memory_space<hbm>>
      tpu.enqueue_dma source(%dma_start3A_99 : memref<632x128xf32, #tpu.memory_space<hbm>>) target(%dma_start3A_97 : memref<632x128xf32, #tpu.memory_space<vmem_shared>>) target_semaphore(%run_scoped3A : memref<!tpu.dma_semaphore, #tpu.memory_space<semaphore_mem>>)
      %dma_wait3A_100 = arith.constant 0 : i32
      %dma_wait3A_101 = tpu.memref_slice %arg19[%mul3A_4, %dma_wait3A_100] : memref<10112x128xf32, #tpu.memory_space<vmem_shared>> -> memref<632x128xf32, #tpu.memory_space<vmem_shared>>
      %dma_wait3A_102 = arith.constant 0 : i32
      %dma_wait3A_103 = tpu.memref_slice %arg5[%mul3A_2, %dma_wait3A_102] : memref<10112x128xf32, #tpu.memory_space<hbm>> -> memref<632x128xf32, #tpu.memory_space<hbm>>
      tpu.wait_dma2 semaphore(%run_scoped3A : memref<!tpu.dma_semaphore, #tpu.memory_space<semaphore_mem>>) src(%dma_wait3A_103 : memref<632x128xf32, #tpu.memory_space<hbm>>) dst(%dma_wait3A_101 : memref<632x128xf32, #tpu.memory_space<vmem_shared>>)
      tpu.yield
    }) : () -> ()
    %mul3A_5 = arith.constant 10000 : i32
    %mul3A_6 = arith.muli %add3A, %mul3A_5 : i32
    "tpu.region"() ({
      %run_scoped3A = tpu.sem_alloc : memref<!tpu.dma_semaphore, #tpu.memory_space<semaphore_mem>>
      %dma_start3A_96 = tpu.memref_slice %arg3[%mul3A_6] : memref<320000xi32, #tpu.memory_space<hbm>> -> memref<10000xi32, #tpu.memory_space<hbm>>
      %dma_start3A_97 = tpu.memref_slice %arg3[%mul3A_6] : memref<320000xi32, #tpu.memory_space<hbm>> -> memref<10000xi32, #tpu.memory_space<hbm>>
      tpu.enqueue_dma source(%dma_start3A_97 : memref<10000xi32, #tpu.memory_space<hbm>>) target(%arg7 : memref<10000xi32, #tpu.memory_space<vmem>>) target_semaphore(%run_scoped3A : memref<!tpu.dma_semaphore, #tpu.memory_space<semaphore_mem>>)
      %dma_wait3A_98 = tpu.memref_slice %arg3[%mul3A_6] : memref<320000xi32, #tpu.memory_space<hbm>> -> memref<10000xi32, #tpu.memory_space<hbm>>
      %dma_wait3A_99 = tpu.memref_slice %arg3[%mul3A_6] : memref<320000xi32, #tpu.memory_space<hbm>> -> memref<10000xi32, #tpu.memory_space<hbm>>
      tpu.wait_dma2 semaphore(%run_scoped3A : memref<!tpu.dma_semaphore, #tpu.memory_space<semaphore_mem>>) src(%dma_wait3A_99 : memref<10000xi32, #tpu.memory_space<hbm>>) dst(%arg7 : memref<10000xi32, #tpu.memory_space<vmem>>)
      tpu.yield
    }) : () -> ()
    %mul3A_7 = arith.constant 10000 : i32
    %mul3A_8 = arith.muli %add3A, %mul3A_7 : i32
    "tpu.region"() ({
      %run_scoped3A = tpu.sem_alloc : memref<!tpu.dma_semaphore, #tpu.memory_space<semaphore_mem>>
      %dma_start3A_96 = tpu.memref_slice %arg4[%mul3A_8] : memref<320000xi32, #tpu.memory_space<hbm>> -> memref<10000xi32, #tpu.memory_space<hbm>>
      %dma_start3A_97 = tpu.memref_slice %arg4[%mul3A_8] : memref<320000xi32, #tpu.memory_space<hbm>> -> memref<10000xi32, #tpu.memory_space<hbm>>
      tpu.enqueue_dma source(%dma_start3A_97 : memref<10000xi32, #tpu.memory_space<hbm>>) target(%arg8 : memref<10000xi32, #tpu.memory_space<vmem>>) target_semaphore(%run_scoped3A : memref<!tpu.dma_semaphore, #tpu.memory_space<semaphore_mem>>)
      %dma_wait3A_98 = tpu.memref_slice %arg4[%mul3A_8] : memref<320000xi32, #tpu.memory_space<hbm>> -> memref<10000xi32, #tpu.memory_space<hbm>>
      %dma_wait3A_99 = tpu.memref_slice %arg4[%mul3A_8] : memref<320000xi32, #tpu.memory_space<hbm>> -> memref<10000xi32, #tpu.memory_space<hbm>>
      tpu.wait_dma2 semaphore(%run_scoped3A : memref<!tpu.dma_semaphore, #tpu.memory_space<semaphore_mem>>) src(%dma_wait3A_99 : memref<10000xi32, #tpu.memory_space<hbm>>) dst(%arg8 : memref<10000xi32, #tpu.memory_space<vmem>>)
      tpu.yield
    }) : () -> ()
    %barrier3A = arith.constant 0 : index
    tpu.barrier barrier_id(%barrier3A)
    %scan3A = arith.constant 0 : i32
    %scan3A_9 = arith.constant 62 : i32
    %scan3A_10 = arith.addi %scan3A, %scan3A_9 : i32
    %scan3A_11 = arith.constant 1 : i32
    scf.for %scan3A_96 = %scan3A to %scan3A_10 step %scan3A_11  : i32 {
      %mul3A_97 = arith.constant 1 : i32
      %mul3A_98 = arith.muli %scan3A_96, %mul3A_97 : i32
      %add3A_99 = arith.constant 0 : i32
      %add3A_100 = arith.addi %add3A_99, %mul3A_98 : i32
      %mul3A_101 = arith.constant 2 : i32
      %mul3A_102 = arith.muli %mul3A_101, %add3A_100 : i32
      %mul3A_103 = arith.constant 80 : i32
      %mul3A_104 = arith.muli %mul3A_102, %mul3A_103 : i32
      %add3A_105 = arith.constant 0 : i32
      %add3A_106 = arith.addi %mul3A_104, %add3A_105 : i32
      %get3A_107 = arith.index_cast %add3A_106 : i32 to index
      %get3A_108 = tpu.vector_load %arg7[%get3A_107] {strides = array<i32>} : memref<10000xi32, #tpu.memory_space<vmem>>, vector<16xi32>,
      %get3A_109 = vector.shape_cast %get3A_108 : vector<16xi32> to vector<16xi32>
      %swap3A_110 = arith.constant 0 : index
      %swap3A_111 = tpu.vector_load %arg9[%swap3A_110] {strides = array<i32>} : memref<80xi32, #tpu.memory_space<vmem>>, vector<16xi32>,
      %swap3A_112 = vector.shape_cast %swap3A_111 : vector<16xi32> to vector<16xi32>
      %swap3A_113 = vector.shape_cast %get3A_109 : vector<16xi32> to vector<16xi32>
      tpu.vector_store %arg9[%swap3A_110], %swap3A_113 {strides = array<i32>} : memref<80xi32, #tpu.memory_space<vmem>>, vector<16xi32>,
      %add3A_114 = arith.constant 0 : i32
      %add3A_115 = arith.addi %mul3A_104, %add3A_114 : i32
      %get3A_116 = arith.index_cast %add3A_115 : i32 to index
      %get3A_117 = tpu.vector_load %arg8[%get3A_116] {strides = array<i32>} : memref<10000xi32, #tpu.memory_space<vmem>>, vector<16xi32>,
      %get3A_118 = vector.shape_cast %get3A_117 : vector<16xi32> to vector<16xi32>
      %swap3A_119 = arith.constant 0 : index
      %swap3A_120 = tpu.vector_load %arg10[%swap3A_119] {strides = array<i32>} : memref<80xi32, #tpu.memory_space<vmem>>, vector<16xi32>,
      %swap3A_121 = vector.shape_cast %swap3A_120 : vector<16xi32> to vector<16xi32>
      %swap3A_122 = vector.shape_cast %get3A_118 : vector<16xi32> to vector<16xi32>
      tpu.vector_store %arg10[%swap3A_119], %swap3A_122 {strides = array<i32>} : memref<80xi32, #tpu.memory_space<vmem>>, vector<16xi32>,
      %add3A_123 = arith.constant 16 : i32
      %add3A_124 = arith.addi %mul3A_104, %add3A_123 : i32
      %get3A_125 = arith.index_cast %add3A_124 : i32 to index
      %get3A_126 = tpu.vector_load %arg7[%get3A_125] {strides = array<i32>} : memref<10000xi32, #tpu.memory_space<vmem>>, vector<16xi32>,
      %get3A_127 = vector.shape_cast %get3A_126 : vector<16xi32> to vector<16xi32>
      %swap3A_128 = arith.constant 16 : index
      %swap3A_129 = tpu.vector_load %arg9[%swap3A_128] {strides = array<i32>} : memref<80xi32, #tpu.memory_space<vmem>>, vector<16xi32>,
      %swap3A_130 = vector.shape_cast %swap3A_129 : vector<16xi32> to vector<16xi32>
      %swap3A_131 = vector.shape_cast %get3A_127 : vector<16xi32> to vector<16xi32>
      tpu.vector_store %arg9[%swap3A_128], %swap3A_131 {strides = array<i32>} : memref<80xi32, #tpu.memory_space<vmem>>, vector<16xi32>,
      %add3A_132 = arith.constant 16 : i32
      %add3A_133 = arith.addi %mul3A_104, %add3A_132 : i32
      %get3A_134 = arith.index_cast %add3A_133 : i32 to index
      %get3A_135 = tpu.vector_load %arg8[%get3A_134] {strides = array<i32>} : memref<10000xi32, #tpu.memory_space<vmem>>, vector<16xi32>,
      %get3A_136 = vector.shape_cast %get3A_135 : vector<16xi32> to vector<16xi32>
      %swap3A_137 = arith.constant 16 : index
      %swap3A_138 = tpu.vector_load %arg10[%swap3A_137] {strides = array<i32>} : memref<80xi32, #tpu.memory_space<vmem>>, vector<16xi32>,
      %swap3A_139 = vector.shape_cast %swap3A_138 : vector<16xi32> to vector<16xi32>
      %swap3A_140 = vector.shape_cast %get3A_136 : vector<16xi32> to vector<16xi32>
      tpu.vector_store %arg10[%swap3A_137], %swap3A_140 {strides = array<i32>} : memref<80xi32, #tpu.memory_space<vmem>>, vector<16xi32>,
      %add3A_141 = arith.constant 32 : i32
      %add3A_142 = arith.addi %mul3A_104, %add3A_141 : i32
      %get3A_143 = arith.index_cast %add3A_142 : i32 to index
      %get3A_144 = tpu.vector_load %arg7[%get3A_143] {strides = array<i32>} : memref<10000xi32, #tpu.memory_space<vmem>>, vector<16xi32>,
      %get3A_145 = vector.shape_cast %get3A_144 : vector<16xi32> to vector<16xi32>
      %swap3A_146 = arith.constant 32 : index
      %swap3A_147 = tpu.vector_load %arg9[%swap3A_146] {strides = array<i32>} : memref<80xi32, #tpu.memory_space<vmem>>, vector<16xi32>,
      %swap3A_148 = vector.shape_cast %swap3A_147 : vector<16xi32> to vector<16xi32>
      %swap3A_149 = vector.shape_cast %get3A_145 : vector<16xi32> to vector<16xi32>
      tpu.vector_store %arg9[%swap3A_146], %swap3A_149 {strides = array<i32>} : memref<80xi32, #tpu.memory_space<vmem>>, vector<16xi32>,
      %add3A_150 = arith.constant 32 : i32
      %add3A_151 = arith.addi %mul3A_104, %add3A_150 : i32
      %get3A_152 = arith.index_cast %add3A_151 : i32 to index
      %get3A_153 = tpu.vector_load %arg8[%get3A_152] {strides = array<i32>} : memref<10000xi32, #tpu.memory_space<vmem>>, vector<16xi32>,
      %get3A_154 = vector.shape_cast %get3A_153 : vector<16xi32> to vector<16xi32>
      %swap3A_155 = arith.constant 32 : index
      %swap3A_156 = tpu.vector_load %arg10[%swap3A_155] {strides = array<i32>} : memref<80xi32, #tpu.memory_space<vmem>>, vector<16xi32>,
      %swap3A_157 = vector.shape_cast %swap3A_156 : vector<16xi32> to vector<16xi32>
      %swap3A_158 = vector.shape_cast %get3A_154 : vector<16xi32> to vector<16xi32>
      tpu.vector_store %arg10[%swap3A_155], %swap3A_158 {strides = array<i32>} : memref<80xi32, #tpu.memory_space<vmem>>, vector<16xi32>,
      %add3A_159 = arith.constant 48 : i32
      %add3A_160 = arith.addi %mul3A_104, %add3A_159 : i32
      %get3A_161 = arith.index_cast %add3A_160 : i32 to index
      %get3A_162 = tpu.vector_load %arg7[%get3A_161] {strides = array<i32>} : memref<10000xi32, #tpu.memory_space<vmem>>, vector<16xi32>,
      %get3A_163 = vector.shape_cast %get3A_162 : vector<16xi32> to vector<16xi32>
      %swap3A_164 = arith.constant 48 : index
      %swap3A_165 = tpu.vector_load %arg9[%swap3A_164] {strides = array<i32>} : memref<80xi32, #tpu.memory_space<vmem>>, vector<16xi32>,
      %swap3A_166 = vector.shape_cast %swap3A_165 : vector<16xi32> to vector<16xi32>
      %swap3A_167 = vector.shape_cast %get3A_163 : vector<16xi32> to vector<16xi32>
      tpu.vector_store %arg9[%swap3A_164], %swap3A_167 {strides = array<i32>} : memref<80xi32, #tpu.memory_space<vmem>>, vector<16xi32>,
      %add3A_168 = arith.constant 48 : i32
      %add3A_169 = arith.addi %mul3A_104, %add3A_168 : i32
      %get3A_170 = arith.index_cast %add3A_169 : i32 to index
      %get3A_171 = tpu.vector_load %arg8[%get3A_170] {strides = array<i32>} : memref<10000xi32, #tpu.memory_space<vmem>>, vector<16xi32>,
      %get3A_172 = vector.shape_cast %get3A_171 : vector<16xi32> to vector<16xi32>
      %swap3A_173 = arith.constant 48 : index
      %swap3A_174 = tpu.vector_load %arg10[%swap3A_173] {strides = array<i32>} : memref<80xi32, #tpu.memory_space<vmem>>, vector<16xi32>,
      %swap3A_175 = vector.shape_cast %swap3A_174 : vector<16xi32> to vector<16xi32>
      %swap3A_176 = vector.shape_cast %get3A_172 : vector<16xi32> to vector<16xi32>
      tpu.vector_store %arg10[%swap3A_173], %swap3A_176 {strides = array<i32>} : memref<80xi32, #tpu.memory_space<vmem>>, vector<16xi32>,
      %add3A_177 = arith.constant 64 : i32
      %add3A_178 = arith.addi %mul3A_104, %add3A_177 : i32
      %get3A_179 = arith.index_cast %add3A_178 : i32 to index
      %get3A_180 = tpu.vector_load %arg7[%get3A_179] {strides = array<i32>} : memref<10000xi32, #tpu.memory_space<vmem>>, vector<16xi32>,
      %get3A_181 = vector.shape_cast %get3A_180 : vector<16xi32> to vector<16xi32>
      %swap3A_182 = arith.constant 64 : index
      %swap3A_183 = tpu.vector_load %arg9[%swap3A_182] {strides = array<i32>} : memref<80xi32, #tpu.memory_space<vmem>>, vector<16xi32>,
      %swap3A_184 = vector.shape_cast %swap3A_183 : vector<16xi32> to vector<16xi32>
      %swap3A_185 = vector.shape_cast %get3A_181 : vector<16xi32> to vector<16xi32>
      tpu.vector_store %arg9[%swap3A_182], %swap3A_185 {strides = array<i32>} : memref<80xi32, #tpu.memory_space<vmem>>, vector<16xi32>,
      %add3A_186 = arith.constant 64 : i32
      %add3A_187 = arith.addi %mul3A_104, %add3A_186 : i32
      %get3A_188 = arith.index_cast %add3A_187 : i32 to index
      %get3A_189 = tpu.vector_load %arg8[%get3A_188] {strides = array<i32>} : memref<10000xi32, #tpu.memory_space<vmem>>, vector<16xi32>,
      %get3A_190 = vector.shape_cast %get3A_189 : vector<16xi32> to vector<16xi32>
      %swap3A_191 = arith.constant 64 : index
      %swap3A_192 = tpu.vector_load %arg10[%swap3A_191] {strides = array<i32>} : memref<80xi32, #tpu.memory_space<vmem>>, vector<16xi32>,
      %swap3A_193 = vector.shape_cast %swap3A_192 : vector<16xi32> to vector<16xi32>
      %swap3A_194 = vector.shape_cast %get3A_190 : vector<16xi32> to vector<16xi32>
      tpu.vector_store %arg10[%swap3A_191], %swap3A_194 {strides = array<i32>} : memref<80xi32, #tpu.memory_space<vmem>>, vector<16xi32>,
      %dma_start3A_195 = arith.constant 0 : i32
      %dma_start3A_196 = arith.constant 0 : i32
      %dma_start3A_197 = tpu.memref_slice %arg2[%dma_start3A_195, %dma_start3A_196] : memref<10000x128xf32, #tpu.memory_space<hbm>> -> memref<10000x128xf32, #tpu.memory_space<hbm>>
      tpu.enqueue_indirect_dma source(%dma_start3A_197 : memref<10000x128xf32, #tpu.memory_space<hbm>>) target(%arg11 : memref<80x128xf32, #tpu.memory_space<vmem>>) offsets(%arg9 : memref<80xi32, #tpu.memory_space<vmem>>) semaphore(%arg12 : memref<!tpu.dma_semaphore, #tpu.memory_space<semaphore_mem>>)
      %add3A_198 = arith.constant 1 : i32
      %add3A_199 = arith.addi %mul3A_102, %add3A_198 : i32
      %mul3A_200 = arith.constant 80 : i32
      %mul3A_201 = arith.muli %add3A_199, %mul3A_200 : i32
      %add3A_202 = arith.constant 0 : i32
      %add3A_203 = arith.addi %mul3A_201, %add3A_202 : i32
      %get3A_204 = arith.index_cast %add3A_203 : i32 to index
      %get3A_205 = tpu.vector_load %arg7[%get3A_204] {strides = array<i32>} : memref<10000xi32, #tpu.memory_space<vmem>>, vector<16xi32>,
      %get3A_206 = vector.shape_cast %get3A_205 : vector<16xi32> to vector<16xi32>
      %swap3A_207 = arith.constant 0 : index
      %swap3A_208 = tpu.vector_load %arg14[%swap3A_207] {strides = array<i32>} : memref<80xi32, #tpu.memory_space<vmem>>, vector<16xi32>,
      %swap3A_209 = vector.shape_cast %swap3A_208 : vector<16xi32> to vector<16xi32>
      %swap3A_210 = vector.shape_cast %get3A_206 : vector<16xi32> to vector<16xi32>
      tpu.vector_store %arg14[%swap3A_207], %swap3A_210 {strides = array<i32>} : memref<80xi32, #tpu.memory_space<vmem>>, vector<16xi32>,
      %add3A_211 = arith.constant 0 : i32
      %add3A_212 = arith.addi %mul3A_201, %add3A_211 : i32
      %get3A_213 = arith.index_cast %add3A_212 : i32 to index
      %get3A_214 = tpu.vector_load %arg8[%get3A_213] {strides = array<i32>} : memref<10000xi32, #tpu.memory_space<vmem>>, vector<16xi32>,
      %get3A_215 = vector.shape_cast %get3A_214 : vector<16xi32> to vector<16xi32>
      %swap3A_216 = arith.constant 0 : index
      %swap3A_217 = tpu.vector_load %arg15[%swap3A_216] {strides = array<i32>} : memref<80xi32, #tpu.memory_space<vmem>>, vector<16xi32>,
      %swap3A_218 = vector.shape_cast %swap3A_217 : vector<16xi32> to vector<16xi32>
      %swap3A_219 = vector.shape_cast %get3A_215 : vector<16xi32> to vector<16xi32>
      tpu.vector_store %arg15[%swap3A_216], %swap3A_219 {strides = array<i32>} : memref<80xi32, #tpu.memory_space<vmem>>, vector<16xi32>,
      %add3A_220 = arith.constant 16 : i32
      %add3A_221 = arith.addi %mul3A_201, %add3A_220 : i32
      %get3A_222 = arith.index_cast %add3A_221 : i32 to index
      %get3A_223 = tpu.vector_load %arg7[%get3A_222] {strides = array<i32>} : memref<10000xi32, #tpu.memory_space<vmem>>, vector<16xi32>,
      %get3A_224 = vector.shape_cast %get3A_223 : vector<16xi32> to vector<16xi32>
      %swap3A_225 = arith.constant 16 : index
      %swap3A_226 = tpu.vector_load %arg14[%swap3A_225] {strides = array<i32>} : memref<80xi32, #tpu.memory_space<vmem>>, vector<16xi32>,
      %swap3A_227 = vector.shape_cast %swap3A_226 : vector<16xi32> to vector<16xi32>
      %swap3A_228 = vector.shape_cast %get3A_224 : vector<16xi32> to vector<16xi32>
      tpu.vector_store %arg14[%swap3A_225], %swap3A_228 {strides = array<i32>} : memref<80xi32, #tpu.memory_space<vmem>>, vector<16xi32>,
      %add3A_229 = arith.constant 16 : i32
      %add3A_230 = arith.addi %mul3A_201, %add3A_229 : i32
      %get3A_231 = arith.index_cast %add3A_230 : i32 to index
      %get3A_232 = tpu.vector_load %arg8[%get3A_231] {strides = array<i32>} : memref<10000xi32, #tpu.memory_space<vmem>>, vector<16xi32>,
      %get3A_233 = vector.shape_cast %get3A_232 : vector<16xi32> to vector<16xi32>
      %swap3A_234 = arith.constant 16 : index
      %swap3A_235 = tpu.vector_load %arg15[%swap3A_234] {strides = array<i32>} : memref<80xi32, #tpu.memory_space<vmem>>, vector<16xi32>,
      %swap3A_236 = vector.shape_cast %swap3A_235 : vector<16xi32> to vector<16xi32>
      %swap3A_237 = vector.shape_cast %get3A_233 : vector<16xi32> to vector<16xi32>
      tpu.vector_store %arg15[%swap3A_234], %swap3A_237 {strides = array<i32>} : memref<80xi32, #tpu.memory_space<vmem>>, vector<16xi32>,
      %add3A_238 = arith.constant 32 : i32
      %add3A_239 = arith.addi %mul3A_201, %add3A_238 : i32
      %get3A_240 = arith.index_cast %add3A_239 : i32 to index
      %get3A_241 = tpu.vector_load %arg7[%get3A_240] {strides = array<i32>} : memref<10000xi32, #tpu.memory_space<vmem>>, vector<16xi32>,
      %get3A_242 = vector.shape_cast %get3A_241 : vector<16xi32> to vector<16xi32>
      %swap3A_243 = arith.constant 32 : index
      %swap3A_244 = tpu.vector_load %arg14[%swap3A_243] {strides = array<i32>} : memref<80xi32, #tpu.memory_space<vmem>>, vector<16xi32>,
      %swap3A_245 = vector.shape_cast %swap3A_244 : vector<16xi32> to vector<16xi32>
      %swap3A_246 = vector.shape_cast %get3A_242 : vector<16xi32> to vector<16xi32>
      tpu.vector_store %arg14[%swap3A_243], %swap3A_246 {strides = array<i32>} : memref<80xi32, #tpu.memory_space<vmem>>, vector<16xi32>,
      %add3A_247 = arith.constant 32 : i32
      %add3A_248 = arith.addi %mul3A_201, %add3A_247 : i32
      %get3A_249 = arith.index_cast %add3A_248 : i32 to index
      %get3A_250 = tpu.vector_load %arg8[%get3A_249] {strides = array<i32>} : memref<10000xi32, #tpu.memory_space<vmem>>, vector<16xi32>,
      %get3A_251 = vector.shape_cast %get3A_250 : vector<16xi32> to vector<16xi32>
      %swap3A_252 = arith.constant 32 : index
      %swap3A_253 = tpu.vector_load %arg15[%swap3A_252] {strides = array<i32>} : memref<80xi32, #tpu.memory_space<vmem>>, vector<16xi32>,
      %swap3A_254 = vector.shape_cast %swap3A_253 : vector<16xi32> to vector<16xi32>
      %swap3A_255 = vector.shape_cast %get3A_251 : vector<16xi32> to vector<16xi32>
      tpu.vector_store %arg15[%swap3A_252], %swap3A_255 {strides = array<i32>} : memref<80xi32, #tpu.memory_space<vmem>>, vector<16xi32>,
      %add3A_256 = arith.constant 48 : i32
      %add3A_257 = arith.addi %mul3A_201, %add3A_256 : i32
      %get3A_258 = arith.index_cast %add3A_257 : i32 to index
      %get3A_259 = tpu.vector_load %arg7[%get3A_258] {strides = array<i32>} : memref<10000xi32, #tpu.memory_space<vmem>>, vector<16xi32>,
      %get3A_260 = vector.shape_cast %get3A_259 : vector<16xi32> to vector<16xi32>
      %swap3A_261 = arith.constant 48 : index
      %swap3A_262 = tpu.vector_load %arg14[%swap3A_261] {strides = array<i32>} : memref<80xi32, #tpu.memory_space<vmem>>, vector<16xi32>,
      %swap3A_263 = vector.shape_cast %swap3A_262 : vector<16xi32> to vector<16xi32>
      %swap3A_264 = vector.shape_cast %get3A_260 : vector<16xi32> to vector<16xi32>
      tpu.vector_store %arg14[%swap3A_261], %swap3A_264 {strides = array<i32>} : memref<80xi32, #tpu.memory_space<vmem>>, vector<16xi32>,
      %add3A_265 = arith.constant 48 : i32
      %add3A_266 = arith.addi %mul3A_201, %add3A_265 : i32
      %get3A_267 = arith.index_cast %add3A_266 : i32 to index
      %get3A_268 = tpu.vector_load %arg8[%get3A_267] {strides = array<i32>} : memref<10000xi32, #tpu.memory_space<vmem>>, vector<16xi32>,
      %get3A_269 = vector.shape_cast %get3A_268 : vector<16xi32> to vector<16xi32>
      %swap3A_270 = arith.constant 48 : index
      %swap3A_271 = tpu.vector_load %arg15[%swap3A_270] {strides = array<i32>} : memref<80xi32, #tpu.memory_space<vmem>>, vector<16xi32>,
      %swap3A_272 = vector.shape_cast %swap3A_271 : vector<16xi32> to vector<16xi32>
      %swap3A_273 = vector.shape_cast %get3A_269 : vector<16xi32> to vector<16xi32>
      tpu.vector_store %arg15[%swap3A_270], %swap3A_273 {strides = array<i32>} : memref<80xi32, #tpu.memory_space<vmem>>, vector<16xi32>,
      %add3A_274 = arith.constant 64 : i32
      %add3A_275 = arith.addi %mul3A_201, %add3A_274 : i32
      %get3A_276 = arith.index_cast %add3A_275 : i32 to index
      %get3A_277 = tpu.vector_load %arg7[%get3A_276] {strides = array<i32>} : memref<10000xi32, #tpu.memory_space<vmem>>, vector<16xi32>,
      %get3A_278 = vector.shape_cast %get3A_277 : vector<16xi32> to vector<16xi32>
      %swap3A_279 = arith.constant 64 : index
      %swap3A_280 = tpu.vector_load %arg14[%swap3A_279] {strides = array<i32>} : memref<80xi32, #tpu.memory_space<vmem>>, vector<16xi32>,
      %swap3A_281 = vector.shape_cast %swap3A_280 : vector<16xi32> to vector<16xi32>
      %swap3A_282 = vector.shape_cast %get3A_278 : vector<16xi32> to vector<16xi32>
      tpu.vector_store %arg14[%swap3A_279], %swap3A_282 {strides = array<i32>} : memref<80xi32, #tpu.memory_space<vmem>>, vector<16xi32>,
      %add3A_283 = arith.constant 64 : i32
      %add3A_284 = arith.addi %mul3A_201, %add3A_283 : i32
      %get3A_285 = arith.index_cast %add3A_284 : i32 to index
      %get3A_286 = tpu.vector_load %arg8[%get3A_285] {strides = array<i32>} : memref<10000xi32, #tpu.memory_space<vmem>>, vector<16xi32>,
      %get3A_287 = vector.shape_cast %get3A_286 : vector<16xi32> to vector<16xi32>
      %swap3A_288 = arith.constant 64 : index
      %swap3A_289 = tpu.vector_load %arg15[%swap3A_288] {strides = array<i32>} : memref<80xi32, #tpu.memory_space<vmem>>, vector<16xi32>,
      %swap3A_290 = vector.shape_cast %swap3A_289 : vector<16xi32> to vector<16xi32>
      %swap3A_291 = vector.shape_cast %get3A_287 : vector<16xi32> to vector<16xi32>
      tpu.vector_store %arg15[%swap3A_288], %swap3A_291 {strides = array<i32>} : memref<80xi32, #tpu.memory_space<vmem>>, vector<16xi32>,
      %dma_start3A_292 = arith.constant 0 : i32
      %dma_start3A_293 = arith.constant 0 : i32
      %dma_start3A_294 = tpu.memref_slice %arg2[%dma_start3A_292, %dma_start3A_293] : memref<10000x128xf32, #tpu.memory_space<hbm>> -> memref<10000x128xf32, #tpu.memory_space<hbm>>
      tpu.enqueue_indirect_dma source(%dma_start3A_294 : memref<10000x128xf32, #tpu.memory_space<hbm>>) target(%arg16 : memref<80x128xf32, #tpu.memory_space<vmem>>) offsets(%arg14 : memref<80xi32, #tpu.memory_space<vmem>>) semaphore(%arg17 : memref<!tpu.dma_semaphore, #tpu.memory_space<semaphore_mem>>)
      %dma_wait3A_295 = arith.constant 0 : i32
      %dma_wait3A_296 = arith.constant 0 : i32
      %dma_wait3A_297 = tpu.memref_slice %arg2[%dma_wait3A_295, %dma_wait3A_296] : memref<10000x128xf32, #tpu.memory_space<hbm>> -> memref<10000x128xf32, #tpu.memory_space<hbm>>
      tpu.wait_indirect_dma semaphore(%arg12 : memref<!tpu.dma_semaphore, #tpu.memory_space<semaphore_mem>>) src(%dma_wait3A_297 : memref<10000x128xf32, #tpu.memory_space<hbm>>) dst(%arg11 : memref<80x128xf32, #tpu.memory_space<vmem>>)
      %dma_start3A_298 = arith.constant 0 : i32
      %dma_start3A_299 = arith.constant 0 : i32
      %dma_start3A_300 = tpu.memref_slice %arg19[%dma_start3A_298, %dma_start3A_299] : memref<10112x128xf32, #tpu.memory_space<vmem_shared>> -> memref<10112x128xf32, #tpu.memory_space<vmem_shared>>
      tpu.enqueue_indirect_dma source(%arg11 : memref<80x128xf32, #tpu.memory_space<vmem>>) target(%dma_start3A_300 : memref<10112x128xf32, #tpu.memory_space<vmem_shared>>) offsets(%arg10 : memref<80xi32, #tpu.memory_space<vmem>>) semaphore(%arg13 : memref<!tpu.dma_semaphore, #tpu.memory_space<semaphore_mem>>) {add = true}
      %dma_wait3A_301 = arith.constant 0 : i32
      %dma_wait3A_302 = arith.constant 0 : i32
      %dma_wait3A_303 = tpu.memref_slice %arg19[%dma_wait3A_301, %dma_wait3A_302] : memref<10112x128xf32, #tpu.memory_space<vmem_shared>> -> memref<10112x128xf32, #tpu.memory_space<vmem_shared>>
      tpu.wait_indirect_dma semaphore(%arg13 : memref<!tpu.dma_semaphore, #tpu.memory_space<semaphore_mem>>) src(%arg11 : memref<80x128xf32, #tpu.memory_space<vmem>>) dst(%dma_wait3A_303 : memref<10112x128xf32, #tpu.memory_space<vmem_shared>>)
      %dma_wait3A_304 = arith.constant 0 : i32
      %dma_wait3A_305 = arith.constant 0 : i32
      %dma_wait3A_306 = tpu.memref_slice %arg2[%dma_wait3A_304, %dma_wait3A_305] : memref<10000x128xf32, #tpu.memory_space<hbm>> -> memref<10000x128xf32, #tpu.memory_space<hbm>>
      tpu.wait_indirect_dma semaphore(%arg17 : memref<!tpu.dma_semaphore, #tpu.memory_space<semaphore_mem>>) src(%dma_wait3A_306 : memref<10000x128xf32, #tpu.memory_space<hbm>>) dst(%arg16 : memref<80x128xf32, #tpu.memory_space<vmem>>)
      %dma_start3A_307 = arith.constant 0 : i32
      %dma_start3A_308 = arith.constant 0 : i32
      %dma_start3A_309 = tpu.memref_slice %arg19[%dma_start3A_307, %dma_start3A_308] : memref<10112x128xf32, #tpu.memory_space<vmem_shared>> -> memref<10112x128xf32, #tpu.memory_space<vmem_shared>>
      tpu.enqueue_indirect_dma source(%arg16 : memref<80x128xf32, #tpu.memory_space<vmem>>) target(%dma_start3A_309 : memref<10112x128xf32, #tpu.memory_space<vmem_shared>>) offsets(%arg15 : memref<80xi32, #tpu.memory_space<vmem>>) semaphore(%arg18 : memref<!tpu.dma_semaphore, #tpu.memory_space<semaphore_mem>>) {add = true}
      %dma_wait3A_310 = arith.constant 0 : i32
      %dma_wait3A_311 = arith.constant 0 : i32
      %dma_wait3A_312 = tpu.memref_slice %arg19[%dma_wait3A_310, %dma_wait3A_311] : memref<10112x128xf32, #tpu.memory_space<vmem_shared>> -> memref<10112x128xf32, #tpu.memory_space<vmem_shared>>
      tpu.wait_indirect_dma semaphore(%arg18 : memref<!tpu.dma_semaphore, #tpu.memory_space<semaphore_mem>>) src(%arg16 : memref<80x128xf32, #tpu.memory_space<vmem>>) dst(%dma_wait3A_312 : memref<10112x128xf32, #tpu.memory_space<vmem_shared>>)
    }
    %scan3A_12 = arith.constant 62 : i32
    %get3A = arith.constant 9920 : index
    %get3A_13 = tpu.vector_load %arg7[%get3A] {strides = array<i32>} : memref<10000xi32, #tpu.memory_space<vmem>>, vector<16xi32>,
    %get3A_14 = vector.shape_cast %get3A_13 : vector<16xi32> to vector<16xi32>
    %swap3A = arith.constant 0 : index
    %swap3A_15 = tpu.vector_load %arg9[%swap3A] {strides = array<i32>} : memref<80xi32, #tpu.memory_space<vmem>>, vector<16xi32>,
    %swap3A_16 = vector.shape_cast %swap3A_15 : vector<16xi32> to vector<16xi32>
    %swap3A_17 = vector.shape_cast %get3A_14 : vector<16xi32> to vector<16xi32>
    tpu.vector_store %arg9[%swap3A], %swap3A_17 {strides = array<i32>} : memref<80xi32, #tpu.memory_space<vmem>>, vector<16xi32>,
    %get3A_18 = arith.constant 9920 : index
    %get3A_19 = tpu.vector_load %arg8[%get3A_18] {strides = array<i32>} : memref<10000xi32, #tpu.memory_space<vmem>>, vector<16xi32>,
    %get3A_20 = vector.shape_cast %get3A_19 : vector<16xi32> to vector<16xi32>
    %swap3A_21 = arith.constant 0 : index
    %swap3A_22 = tpu.vector_load %arg10[%swap3A_21] {strides = array<i32>} : memref<80xi32, #tpu.memory_space<vmem>>, vector<16xi32>,
    %swap3A_23 = vector.shape_cast %swap3A_22 : vector<16xi32> to vector<16xi32>
    %swap3A_24 = vector.shape_cast %get3A_20 : vector<16xi32> to vector<16xi32>
    tpu.vector_store %arg10[%swap3A_21], %swap3A_24 {strides = array<i32>} : memref<80xi32, #tpu.memory_space<vmem>>, vector<16xi32>,
    %get3A_25 = arith.constant 9936 : index
    %get3A_26 = tpu.vector_load %arg7[%get3A_25] {strides = array<i32>} : memref<10000xi32, #tpu.memory_space<vmem>>, vector<16xi32>,
    %get3A_27 = vector.shape_cast %get3A_26 : vector<16xi32> to vector<16xi32>
    %swap3A_28 = arith.constant 16 : index
    %swap3A_29 = tpu.vector_load %arg9[%swap3A_28] {strides = array<i32>} : memref<80xi32, #tpu.memory_space<vmem>>, vector<16xi32>,
    %swap3A_30 = vector.shape_cast %swap3A_29 : vector<16xi32> to vector<16xi32>
    %swap3A_31 = vector.shape_cast %get3A_27 : vector<16xi32> to vector<16xi32>
    tpu.vector_store %arg9[%swap3A_28], %swap3A_31 {strides = array<i32>} : memref<80xi32, #tpu.memory_space<vmem>>, vector<16xi32>,
    %get3A_32 = arith.constant 9936 : index
    %get3A_33 = tpu.vector_load %arg8[%get3A_32] {strides = array<i32>} : memref<10000xi32, #tpu.memory_space<vmem>>, vector<16xi32>,
    %get3A_34 = vector.shape_cast %get3A_33 : vector<16xi32> to vector<16xi32>
    %swap3A_35 = arith.constant 16 : index
    %swap3A_36 = tpu.vector_load %arg10[%swap3A_35] {strides = array<i32>} : memref<80xi32, #tpu.memory_space<vmem>>, vector<16xi32>,
    %swap3A_37 = vector.shape_cast %swap3A_36 : vector<16xi32> to vector<16xi32>
    %swap3A_38 = vector.shape_cast %get3A_34 : vector<16xi32> to vector<16xi32>
    tpu.vector_store %arg10[%swap3A_35], %swap3A_38 {strides = array<i32>} : memref<80xi32, #tpu.memory_space<vmem>>, vector<16xi32>,
    %get3A_39 = arith.constant 9952 : index
    %get3A_40 = tpu.vector_load %arg7[%get3A_39] {strides = array<i32>} : memref<10000xi32, #tpu.memory_space<vmem>>, vector<16xi32>,
    %get3A_41 = vector.shape_cast %get3A_40 : vector<16xi32> to vector<16xi32>
    %swap3A_42 = arith.constant 32 : index
    %swap3A_43 = tpu.vector_load %arg9[%swap3A_42] {strides = array<i32>} : memref<80xi32, #tpu.memory_space<vmem>>, vector<16xi32>,
    %swap3A_44 = vector.shape_cast %swap3A_43 : vector<16xi32> to vector<16xi32>
    %swap3A_45 = vector.shape_cast %get3A_41 : vector<16xi32> to vector<16xi32>
    tpu.vector_store %arg9[%swap3A_42], %swap3A_45 {strides = array<i32>} : memref<80xi32, #tpu.memory_space<vmem>>, vector<16xi32>,
    %get3A_46 = arith.constant 9952 : index
    %get3A_47 = tpu.vector_load %arg8[%get3A_46] {strides = array<i32>} : memref<10000xi32, #tpu.memory_space<vmem>>, vector<16xi32>,
    %get3A_48 = vector.shape_cast %get3A_47 : vector<16xi32> to vector<16xi32>
    %swap3A_49 = arith.constant 32 : index
    %swap3A_50 = tpu.vector_load %arg10[%swap3A_49] {strides = array<i32>} : memref<80xi32, #tpu.memory_space<vmem>>, vector<16xi32>,
    %swap3A_51 = vector.shape_cast %swap3A_50 : vector<16xi32> to vector<16xi32>
    %swap3A_52 = vector.shape_cast %get3A_48 : vector<16xi32> to vector<16xi32>
    tpu.vector_store %arg10[%swap3A_49], %swap3A_52 {strides = array<i32>} : memref<80xi32, #tpu.memory_space<vmem>>, vector<16xi32>,
    %get3A_53 = arith.constant 9968 : index
    %get3A_54 = tpu.vector_load %arg7[%get3A_53] {strides = array<i32>} : memref<10000xi32, #tpu.memory_space<vmem>>, vector<16xi32>,
    %get3A_55 = vector.shape_cast %get3A_54 : vector<16xi32> to vector<16xi32>
    %swap3A_56 = arith.constant 48 : index
    %swap3A_57 = tpu.vector_load %arg9[%swap3A_56] {strides = array<i32>} : memref<80xi32, #tpu.memory_space<vmem>>, vector<16xi32>,
    %swap3A_58 = vector.shape_cast %swap3A_57 : vector<16xi32> to vector<16xi32>
    %swap3A_59 = vector.shape_cast %get3A_55 : vector<16xi32> to vector<16xi32>
    tpu.vector_store %arg9[%swap3A_56], %swap3A_59 {strides = array<i32>} : memref<80xi32, #tpu.memory_space<vmem>>, vector<16xi32>,
    %get3A_60 = arith.constant 9968 : index
    %get3A_61 = tpu.vector_load %arg8[%get3A_60] {strides = array<i32>} : memref<10000xi32, #tpu.memory_space<vmem>>, vector<16xi32>,
    %get3A_62 = vector.shape_cast %get3A_61 : vector<16xi32> to vector<16xi32>
    %swap3A_63 = arith.constant 48 : index
    %swap3A_64 = tpu.vector_load %arg10[%swap3A_63] {strides = array<i32>} : memref<80xi32, #tpu.memory_space<vmem>>, vector<16xi32>,
    %swap3A_65 = vector.shape_cast %swap3A_64 : vector<16xi32> to vector<16xi32>
    %swap3A_66 = vector.shape_cast %get3A_62 : vector<16xi32> to vector<16xi32>
    tpu.vector_store %arg10[%swap3A_63], %swap3A_66 {strides = array<i32>} : memref<80xi32, #tpu.memory_space<vmem>>, vector<16xi32>,
    %get3A_67 = arith.constant 9984 : index
    %get3A_68 = tpu.vector_load %arg7[%get3A_67] {strides = array<i32>} : memref<10000xi32, #tpu.memory_space<vmem>>, vector<16xi32>,
    %get3A_69 = vector.shape_cast %get3A_68 : vector<16xi32> to vector<16xi32>
    %swap3A_70 = arith.constant 64 : index
    %swap3A_71 = tpu.vector_load %arg9[%swap3A_70] {strides = array<i32>} : memref<80xi32, #tpu.memory_space<vmem>>, vector<16xi32>,
    %swap3A_72 = vector.shape_cast %swap3A_71 : vector<16xi32> to vector<16xi32>
    %swap3A_73 = vector.shape_cast %get3A_69 : vector<16xi32> to vector<16xi32>
    tpu.vector_store %arg9[%swap3A_70], %swap3A_73 {strides = array<i32>} : memref<80xi32, #tpu.memory_space<vmem>>, vector<16xi32>,
    %get3A_74 = arith.constant 9984 : index
    %get3A_75 = tpu.vector_load %arg8[%get3A_74] {strides = array<i32>} : memref<10000xi32, #tpu.memory_space<vmem>>, vector<16xi32>,
    %get3A_76 = vector.shape_cast %get3A_75 : vector<16xi32> to vector<16xi32>
    %swap3A_77 = arith.constant 64 : index
    %swap3A_78 = tpu.vector_load %arg10[%swap3A_77] {strides = array<i32>} : memref<80xi32, #tpu.memory_space<vmem>>, vector<16xi32>,
    %swap3A_79 = vector.shape_cast %swap3A_78 : vector<16xi32> to vector<16xi32>
    %swap3A_80 = vector.shape_cast %get3A_76 : vector<16xi32> to vector<16xi32>
    tpu.vector_store %arg10[%swap3A_77], %swap3A_80 {strides = array<i32>} : memref<80xi32, #tpu.memory_space<vmem>>, vector<16xi32>,
    %dma_start3A = arith.constant 0 : i32
    %dma_start3A_81 = arith.constant 0 : i32
    %dma_start3A_82 = tpu.memref_slice %arg2[%dma_start3A, %dma_start3A_81] : memref<10000x128xf32, #tpu.memory_space<hbm>> -> memref<10000x128xf32, #tpu.memory_space<hbm>>
    tpu.enqueue_indirect_dma source(%dma_start3A_82 : memref<10000x128xf32, #tpu.memory_space<hbm>>) target(%arg11 : memref<80x128xf32, #tpu.memory_space<vmem>>) offsets(%arg9 : memref<80xi32, #tpu.memory_space<vmem>>) semaphore(%arg12 : memref<!tpu.dma_semaphore, #tpu.memory_space<semaphore_mem>>)
    %dma_wait3A = arith.constant 0 : i32
    %dma_wait3A_83 = arith.constant 0 : i32
    %dma_wait3A_84 = tpu.memref_slice %arg2[%dma_wait3A, %dma_wait3A_83] : memref<10000x128xf32, #tpu.memory_space<hbm>> -> memref<10000x128xf32, #tpu.memory_space<hbm>>
    tpu.wait_indirect_dma semaphore(%arg12 : memref<!tpu.dma_semaphore, #tpu.memory_space<semaphore_mem>>) src(%dma_wait3A_84 : memref<10000x128xf32, #tpu.memory_space<hbm>>) dst(%arg11 : memref<80x128xf32, #tpu.memory_space<vmem>>)
    %dma_start3A_85 = arith.constant 0 : i32
    %dma_start3A_86 = arith.constant 0 : i32
    %dma_start3A_87 = tpu.memref_slice %arg19[%dma_start3A_85, %dma_start3A_86] : memref<10112x128xf32, #tpu.memory_space<vmem_shared>> -> memref<10112x128xf32, #tpu.memory_space<vmem_shared>>
    tpu.enqueue_indirect_dma source(%arg11 : memref<80x128xf32, #tpu.memory_space<vmem>>) target(%dma_start3A_87 : memref<10112x128xf32, #tpu.memory_space<vmem_shared>>) offsets(%arg10 : memref<80xi32, #tpu.memory_space<vmem>>) semaphore(%arg13 : memref<!tpu.dma_semaphore, #tpu.memory_space<semaphore_mem>>) {add = true}
    %dma_wait3A_88 = arith.constant 0 : i32
    %dma_wait3A_89 = arith.constant 0 : i32
    %dma_wait3A_90 = tpu.memref_slice %arg19[%dma_wait3A_88, %dma_wait3A_89] : memref<10112x128xf32, #tpu.memory_space<vmem_shared>> -> memref<10112x128xf32, #tpu.memory_space<vmem_shared>>
    tpu.wait_indirect_dma semaphore(%arg13 : memref<!tpu.dma_semaphore, #tpu.memory_space<semaphore_mem>>) src(%arg11 : memref<80x128xf32, #tpu.memory_space<vmem>>) dst(%dma_wait3A_90 : memref<10112x128xf32, #tpu.memory_space<vmem_shared>>)
    %barrier3A_91 = arith.constant 0 : index
    tpu.barrier barrier_id(%barrier3A_91)
    %mul3A_92 = arith.constant 632 : i32
    %mul3A_93 = arith.muli %arg1, %mul3A_92 : i32
    %mul3A_94 = arith.constant 632 : i32
    %mul3A_95 = arith.muli %arg1, %mul3A_94 : i32
    "tpu.region"() ({
      %run_scoped3A = tpu.sem_alloc : memref<!tpu.dma_semaphore, #tpu.memory_space<semaphore_mem>>
      %dma_start3A_96 = arith.constant 0 : i32
      %dma_start3A_97 = tpu.memref_slice %arg6[%arg0, %mul3A_95, %dma_start3A_96] : memref<2x10112x128xf32, #tpu.memory_space<hbm>> -> memref<1x632x128xf32, #tpu.memory_space<hbm>>
      %dma_start3A_98 = tpu.memref_squeeze %dma_start3A_97 : memref<1x632x128xf32, #tpu.memory_space<hbm>> -> memref<632x128xf32, #tpu.memory_space<hbm>>
      %dma_start3A_99 = arith.constant 0 : i32
      %dma_start3A_100 = tpu.memref_slice %arg19[%mul3A_93, %dma_start3A_99] : memref<10112x128xf32, #tpu.memory_space<vmem_shared>> -> memref<632x128xf32, #tpu.memory_space<vmem_shared>>
      tpu.enqueue_dma source(%dma_start3A_100 : memref<632x128xf32, #tpu.memory_space<vmem_shared>>) target(%dma_start3A_98 : memref<632x128xf32, #tpu.memory_space<hbm>>) target_semaphore(%run_scoped3A : memref<!tpu.dma_semaphore, #tpu.memory_space<semaphore_mem>>)
      %dma_wait3A_101 = arith.constant 0 : i32
      %dma_wait3A_102 = tpu.memref_slice %arg6[%arg0, %mul3A_95, %dma_wait3A_101] : memref<2x10112x128xf32, #tpu.memory_space<hbm>> -> memref<1x632x128xf32, #tpu.memory_space<hbm>>
      %dma_wait3A_103 = tpu.memref_squeeze %dma_wait3A_102 : memref<1x632x128xf32, #tpu.memory_space<hbm>> -> memref<632x128xf32, #tpu.memory_space<hbm>>
      %dma_wait3A_104 = arith.constant 0 : i32
      %dma_wait3A_105 = tpu.memref_slice %arg19[%mul3A_93, %dma_wait3A_104] : memref<10112x128xf32, #tpu.memory_space<vmem_shared>> -> memref<632x128xf32, #tpu.memory_space<vmem_shared>>
      tpu.wait_dma2 semaphore(%run_scoped3A : memref<!tpu.dma_semaphore, #tpu.memory_space<semaphore_mem>>) src(%dma_wait3A_105 : memref<632x128xf32, #tpu.memory_space<vmem_shared>>) dst(%dma_wait3A_103 : memref<632x128xf32, #tpu.memory_space<hbm>>)
      tpu.yield
    }) : () -> ()
    return
  }
}

module attributes {stable_mosaic.version = 14 : i64} {
  func.func @tc1(%arg0: i32, %arg1: memref<2x1000x1xf32, #tpu.memory_space<vmem>>, %arg2: memref<1000x128xf32, #tpu.memory_space<vmem>>, %arg3: memref<128x128xf32, #tpu.memory_space<vmem>>, %arg4: memref<1000x1xf32, #tpu.memory_space<vmem>>, %arg5: memref<1000x128xf32, #tpu.memory_space<vmem>>) attributes {dimension_semantics = [#tpu.dimension_semantics<arbitrary>], iteration_bounds = array<i64: 10>, scalar_prefetch = 0 : i64, scratch_operands = 0 : i64, tpu.core_type = #tpu.core_type<tc>, window_params = [{transform_indices = @transform_0, window_bounds = array<i64: 2, 1000, 1>}, {transform_indices = @transform_1, window_bounds = array<i64: 1000, 128>}, {pipeline_mode = #tpu.pipeline_mode<synchronous>, transform_indices = @transform_2, window_bounds = array<i64: 128, 128>}, {transform_indices = @transform_3, window_bounds = array<i64: 1000, 1>}, {transform_indices = @transform_4, window_bounds = array<i64: 1000, 128>}]} {
    %get3A = arith.constant 0 : index
    %get3A_0 = arith.constant 0 : index
    %get3A_1 = arith.constant 0 : index
    %get3A_2 = vector.load %arg1[%get3A, %get3A_0, %get3A_1] : memref<2x1000x1xf32, #tpu.memory_space<vmem>>, vector<2x1000x1xf32>
    %slice3A = vector.extract_strided_slice %get3A_2 {offsets = [0, 0, 0], sizes = [1, 1000, 1], strides = [1, 1, 1]} : vector<2x1000x1xf32> to vector<1x1000x1xf32>
    %squeeze3A = vector.shape_cast %slice3A : vector<1x1000x1xf32> to vector<1000x1xf32>
    %slice3A_3 = vector.extract_strided_slice %get3A_2 {offsets = [1, 0, 0], sizes = [1, 1000, 1], strides = [1, 1, 1]} : vector<2x1000x1xf32> to vector<1x1000x1xf32>
    %squeeze3A_4 = vector.shape_cast %slice3A_3 : vector<1x1000x1xf32> to vector<1000x1xf32>
    %add3A = arith.addf %squeeze3A, %squeeze3A_4 : vector<1000x1xf32>
    %gt3A = arith.constant 0.000000e+00 : f32
    %gt3A_5 = vector.broadcast %gt3A : f32 to vector<1000x1xf32>
    %gt3A_6 = arith.cmpf ogt, %add3A, %gt3A_5 : vector<1000x1xf32>
    %rsqrt3A = math.rsqrt %add3A : vector<1000x1xf32>
    %jit3A = arith.constant 0.000000e+00 : f32
    %broadcast_in_dim3A = vector.broadcast %jit3A : f32 to vector<1000x1xf32>
    %select_n3A = arith.select %gt3A_6, %rsqrt3A, %broadcast_in_dim3A : vector<1000x1xi1>, vector<1000x1xf32>
    %swap3A = arith.constant 0 : index
    %swap3A_7 = arith.constant 0 : index
    %swap3A_8 = vector.load %arg4[%swap3A, %swap3A_7] : memref<1000x1xf32, #tpu.memory_space<vmem>>, vector<1000x1xf32>
    tpu.vector_store %arg4[%swap3A, %swap3A_7], %select_n3A {strides = array<i32>} : memref<1000x1xf32, #tpu.memory_space<vmem>>, vector<1000x1xf32>,
    %get3A_9 = arith.constant 0 : index
    %get3A_10 = arith.constant 0 : index
    %get3A_11 = vector.load %arg2[%get3A_9, %get3A_10] : memref<1000x128xf32, #tpu.memory_space<vmem>>, vector<1000x128xf32>
    %get3A_12 = arith.constant 0 : index
    %get3A_13 = arith.constant 0 : index
    %get3A_14 = vector.load %arg3[%get3A_12, %get3A_13] : memref<128x128xf32, #tpu.memory_space<vmem>>, vector<128x128xf32>
    %dot_general3A = arith.constant dense<0.000000e+00> : vector<1000x128xf32>
    %dot_general3A_15 = tpu.matmul %get3A_11, %get3A_14, %dot_general3A {dimension_numbers = #tpu.dot_dimension_numbers<[1], [0], [0], [1], [0, 0, 1, 1], [], []>, transpose_lhs_hint = false} : vector<1000x128xf32>, vector<128x128xf32>, vector<1000x128xf32> -> vector<1000x128xf32>
    %mul3A = vector.broadcast %select_n3A : vector<1000x1xf32> to vector<1000x128xf32>
    %mul3A_16 = arith.mulf %mul3A, %dot_general3A_15 : vector<1000x128xf32>
    %swap3A_17 = arith.constant 0 : index
    %swap3A_18 = arith.constant 0 : index
    %swap3A_19 = vector.load %arg5[%swap3A_17, %swap3A_18] : memref<1000x128xf32, #tpu.memory_space<vmem>>, vector<1000x128xf32>
    tpu.vector_store %arg5[%swap3A_17, %swap3A_18], %mul3A_16 {strides = array<i32>} : memref<1000x128xf32, #tpu.memory_space<vmem>>, vector<1000x128xf32>,
    return
  }
  func.func @transform_0(%arg0: i32) -> (i32, i32, i32) {
    %c0_i32 = arith.constant 0 : i32
    %c0_i32_0 = arith.constant 0 : i32
    %c0_i32_1 = arith.constant 0 : i32
    return %c0_i32, %arg0, %c0_i32_0 : i32, i32, i32
  }
  func.func @transform_1(%arg0: i32) -> (i32, i32) {
    %c0_i32 = arith.constant 0 : i32
    %c0_i32_0 = arith.constant 0 : i32
    return %arg0, %c0_i32 : i32, i32
  }
  func.func @transform_2(%arg0: i32) -> (i32, i32) {
    %c0_i32 = arith.constant 0 : i32
    %c0_i32_0 = arith.constant 0 : i32
    %c0_i32_1 = arith.constant 0 : i32
    return %c0_i32, %c0_i32_0 : i32, i32
  }
  func.func @transform_3(%arg0: i32) -> (i32, i32) {
    %c0_i32 = arith.constant 0 : i32
    %c0_i32_0 = arith.constant 0 : i32
    return %arg0, %c0_i32 : i32, i32
  }
  func.func @transform_4(%arg0: i32) -> (i32, i32) {
    %c0_i32 = arith.constant 0 : i32
    %c0_i32_0 = arith.constant 0 : i32
    return %arg0, %c0_i32 : i32, i32
  }
}

module attributes {stable_mosaic.version = 14 : i64} {
  func.func @tc2(%arg0: i32, %arg1: memref<2x1000x128xf32, #tpu.memory_space<vmem>>, %arg2: memref<1000x1xf32, #tpu.memory_space<vmem>>, %arg3: memref<128xf32, #tpu.memory_space<vmem>>, %arg4: memref<128x128xf32, #tpu.memory_space<vmem>>, %arg5: memref<1000x128xf32, #tpu.memory_space<vmem>>) attributes {dimension_semantics = [#tpu.dimension_semantics<arbitrary>], iteration_bounds = array<i64: 10>, scalar_prefetch = 0 : i64, scratch_operands = 0 : i64, tpu.core_type = #tpu.core_type<tc>, window_params = [{transform_indices = @transform_0, window_bounds = array<i64: 2, 1000, 128>}, {transform_indices = @transform_1, window_bounds = array<i64: 1000, 1>}, {pipeline_mode = #tpu.pipeline_mode<synchronous>, transform_indices = @transform_2, window_bounds = array<i64: 128>}, {pipeline_mode = #tpu.pipeline_mode<synchronous>, transform_indices = @transform_3, window_bounds = array<i64: 128, 128>}, {transform_indices = @transform_4, window_bounds = array<i64: 1000, 128>}]} {
    %get3A = arith.constant 0 : index
    %get3A_0 = arith.constant 0 : index
    %get3A_1 = arith.constant 0 : index
    %get3A_2 = vector.load %arg1[%get3A, %get3A_0, %get3A_1] : memref<2x1000x128xf32, #tpu.memory_space<vmem>>, vector<1x1000x128xf32>
    %get3A_3 = vector.shape_cast %get3A_2 : vector<1x1000x128xf32> to vector<1000x128xf32>
    %get3A_4 = arith.constant 1 : index
    %get3A_5 = arith.constant 0 : index
    %get3A_6 = arith.constant 0 : index
    %get3A_7 = vector.load %arg1[%get3A_4, %get3A_5, %get3A_6] : memref<2x1000x128xf32, #tpu.memory_space<vmem>>, vector<1x1000x128xf32>
    %get3A_8 = vector.shape_cast %get3A_7 : vector<1x1000x128xf32> to vector<1000x128xf32>
    %add3A = arith.addf %get3A_3, %get3A_8 : vector<1000x128xf32>
    %get3A_9 = arith.constant 0 : index
    %get3A_10 = arith.constant 0 : index
    %get3A_11 = vector.load %arg2[%get3A_9, %get3A_10] : memref<1000x1xf32, #tpu.memory_space<vmem>>, vector<1000x1xf32>
    %mul3A = vector.broadcast %get3A_11 : vector<1000x1xf32> to vector<1000x128xf32>
    %mul3A_12 = arith.mulf %mul3A, %add3A : vector<1000x128xf32>
    %get3A_13 = arith.constant 0 : index
    %get3A_14 = vector.load %arg3[%get3A_13] : memref<128xf32, #tpu.memory_space<vmem>>, vector<128xf32>
    %broadcast_in_dim3A = vector.shape_cast %get3A_14 : vector<128xf32> to vector<1x128xf32>
    %add3A_15 = vector.broadcast %broadcast_in_dim3A : vector<1x128xf32> to vector<1000x128xf32>
    %add3A_16 = arith.addf %mul3A_12, %add3A_15 : vector<1000x128xf32>
    %get3A_17 = arith.constant 0 : index
    %get3A_18 = arith.constant 0 : index
    %get3A_19 = vector.load %arg4[%get3A_17, %get3A_18] : memref<128x128xf32, #tpu.memory_space<vmem>>, vector<128x128xf32>
    %dot_general3A = arith.constant dense<0.000000e+00> : vector<1000x128xf32>
    %dot_general3A_20 = tpu.matmul %add3A_16, %get3A_19, %dot_general3A {dimension_numbers = #tpu.dot_dimension_numbers<[1], [0], [0], [1], [0, 0, 1, 1], [], []>, transpose_lhs_hint = false} : vector<1000x128xf32>, vector<128x128xf32>, vector<1000x128xf32> -> vector<1000x128xf32>
    %mul3A_21 = vector.broadcast %get3A_11 : vector<1000x1xf32> to vector<1000x128xf32>
    %mul3A_22 = arith.mulf %mul3A_21, %dot_general3A_20 : vector<1000x128xf32>
    %swap3A = arith.constant 0 : index
    %swap3A_23 = arith.constant 0 : index
    %swap3A_24 = vector.load %arg5[%swap3A, %swap3A_23] : memref<1000x128xf32, #tpu.memory_space<vmem>>, vector<1000x128xf32>
    tpu.vector_store %arg5[%swap3A, %swap3A_23], %mul3A_22 {strides = array<i32>} : memref<1000x128xf32, #tpu.memory_space<vmem>>, vector<1000x128xf32>,
    return
  }
  func.func @transform_0(%arg0: i32) -> (i32, i32, i32) {
    %c0_i32 = arith.constant 0 : i32
    %c0_i32_0 = arith.constant 0 : i32
    %c0_i32_1 = arith.constant 0 : i32
    return %c0_i32, %arg0, %c0_i32_0 : i32, i32, i32
  }
  func.func @transform_1(%arg0: i32) -> (i32, i32) {
    %c0_i32 = arith.constant 0 : i32
    %c0_i32_0 = arith.constant 0 : i32
    return %arg0, %c0_i32 : i32, i32
  }
  func.func @transform_2(%arg0: i32) -> i32 {
    %c0_i32 = arith.constant 0 : i32
    %c0_i32_0 = arith.constant 0 : i32
    return %c0_i32 : i32
  }
  func.func @transform_3(%arg0: i32) -> (i32, i32) {
    %c0_i32 = arith.constant 0 : i32
    %c0_i32_0 = arith.constant 0 : i32
    %c0_i32_1 = arith.constant 0 : i32
    return %c0_i32, %c0_i32_0 : i32, i32
  }
  func.func @transform_4(%arg0: i32) -> (i32, i32) {
    %c0_i32 = arith.constant 0 : i32
    %c0_i32_0 = arith.constant 0 : i32
    return %arg0, %c0_i32 : i32, i32
  }
}

module attributes {stable_mosaic.version = 14 : i64} {
  func.func @tc3(%arg0: i32, %arg1: memref<2x1000x128xf32, #tpu.memory_space<vmem>>, %arg2: memref<2x1000x1xf32, #tpu.memory_space<vmem>>, %arg3: memref<1000x1xf32, #tpu.memory_space<vmem>>, %arg4: memref<128xf32, #tpu.memory_space<vmem>>, %arg5: memref<128x128xf32, #tpu.memory_space<vmem>>, %arg6: memref<128x1xf32, #tpu.memory_space<vmem>>, %arg7: memref<128xf32, #tpu.memory_space<vmem>>, %arg8: memref<1xf32, #tpu.memory_space<vmem>>, %arg9: memref<1x1xf32, #tpu.memory_space<vmem>>, %arg10: memref<1x128xf32, #tpu.memory_space<vmem>>) attributes {dimension_semantics = [#tpu.dimension_semantics<arbitrary>], iteration_bounds = array<i64: 10>, scalar_prefetch = 0 : i64, scratch_operands = 1 : i64, tpu.core_type = #tpu.core_type<tc>, window_params = [{transform_indices = @transform_0, window_bounds = array<i64: 2, 1000, 128>}, {transform_indices = @transform_1, window_bounds = array<i64: 2, 1000, 1>}, {transform_indices = @transform_2, window_bounds = array<i64: 1000, 1>}, {pipeline_mode = #tpu.pipeline_mode<synchronous>, transform_indices = @transform_3, window_bounds = array<i64: 128>}, {pipeline_mode = #tpu.pipeline_mode<synchronous>, transform_indices = @transform_4, window_bounds = array<i64: 128, 128>}, {pipeline_mode = #tpu.pipeline_mode<synchronous>, transform_indices = @transform_5, window_bounds = array<i64: 128, 1>}, {pipeline_mode = #tpu.pipeline_mode<synchronous>, transform_indices = @transform_6, window_bounds = array<i64: 128>}, {pipeline_mode = #tpu.pipeline_mode<synchronous>, transform_indices = @transform_7, window_bounds = array<i64: 1>}, {pipeline_mode = #tpu.pipeline_mode<synchronous>, transform_indices = @transform_8, window_bounds = array<i64: 1, 1>}]} {
    %eq3A = arith.constant 0 : i32
    %eq3A_0 = arith.cmpi eq, %arg0, %eq3A : i32
    %convert_element_type3A = arith.extui %eq3A_0 : i1 to i32
    %cond3A = arith.constant 0 : i32
    %cond3A_1 = arith.cmpi ne, %convert_element_type3A, %cond3A : i32
    scf.if %cond3A_1 {
      %broadcast_in_dim3A_50 = arith.constant 0.000000e+00 : f32
      %broadcast_in_dim3A_51 = vector.broadcast %broadcast_in_dim3A_50 : f32 to vector<1x128xf32>
      %swap3A_52 = arith.constant 0 : index
      %swap3A_53 = arith.constant 0 : index
      %swap3A_54 = vector.load %arg10[%swap3A_52, %swap3A_53] : memref<1x128xf32, #tpu.memory_space<vmem>>, vector<1x128xf32>
      tpu.vector_store %arg10[%swap3A_52, %swap3A_53], %broadcast_in_dim3A_51 {strides = array<i32>} : memref<1x128xf32, #tpu.memory_space<vmem>>, vector<1x128xf32>,
    } else {
    }
    %get3A = arith.constant 0 : index
    %get3A_2 = arith.constant 0 : index
    %get3A_3 = arith.constant 0 : index
    %get3A_4 = vector.load %arg1[%get3A, %get3A_2, %get3A_3] : memref<2x1000x128xf32, #tpu.memory_space<vmem>>, vector<1x1000x128xf32>
    %get3A_5 = vector.shape_cast %get3A_4 : vector<1x1000x128xf32> to vector<1000x128xf32>
    %get3A_6 = arith.constant 1 : index
    %get3A_7 = arith.constant 0 : index
    %get3A_8 = arith.constant 0 : index
    %get3A_9 = vector.load %arg1[%get3A_6, %get3A_7, %get3A_8] : memref<2x1000x128xf32, #tpu.memory_space<vmem>>, vector<1x1000x128xf32>
    %get3A_10 = vector.shape_cast %get3A_9 : vector<1x1000x128xf32> to vector<1000x128xf32>
    %add3A = arith.addf %get3A_5, %get3A_10 : vector<1000x128xf32>
    %get3A_11 = arith.constant 0 : index
    %get3A_12 = arith.constant 0 : index
    %get3A_13 = vector.load %arg3[%get3A_11, %get3A_12] : memref<1000x1xf32, #tpu.memory_space<vmem>>, vector<1000x1xf32>
    %mul3A = vector.broadcast %get3A_13 : vector<1000x1xf32> to vector<1000x128xf32>
    %mul3A_14 = arith.mulf %mul3A, %add3A : vector<1000x128xf32>
    %get3A_15 = arith.constant 0 : index
    %get3A_16 = vector.load %arg4[%get3A_15] : memref<128xf32, #tpu.memory_space<vmem>>, vector<128xf32>
    %broadcast_in_dim3A = vector.shape_cast %get3A_16 : vector<128xf32> to vector<1x128xf32>
    %add3A_17 = vector.broadcast %broadcast_in_dim3A : vector<1x128xf32> to vector<1000x128xf32>
    %add3A_18 = arith.addf %mul3A_14, %add3A_17 : vector<1000x128xf32>
    %get3A_19 = arith.constant 0 : index
    %get3A_20 = arith.constant 0 : index
    %get3A_21 = arith.constant 0 : index
    %get3A_22 = vector.load %arg2[%get3A_19, %get3A_20, %get3A_21] : memref<2x1000x1xf32, #tpu.memory_space<vmem>>, vector<1x1000x1xf32>
    %get3A_23 = vector.shape_cast %get3A_22 : vector<1x1000x1xf32> to vector<1000x1xf32>
    %get3A_24 = arith.constant 1 : index
    %get3A_25 = arith.constant 0 : index
    %get3A_26 = arith.constant 0 : index
    %get3A_27 = vector.load %arg2[%get3A_24, %get3A_25, %get3A_26] : memref<2x1000x1xf32, #tpu.memory_space<vmem>>, vector<1x1000x1xf32>
    %get3A_28 = vector.shape_cast %get3A_27 : vector<1x1000x1xf32> to vector<1000x1xf32>
    %add3A_29 = arith.addf %get3A_23, %get3A_28 : vector<1000x1xf32>
    %mul3A_30 = arith.mulf %get3A_13, %add3A_29 : vector<1000x1xf32>
    %get3A_31 = arith.constant 0 : index
    %get3A_32 = arith.constant 0 : index
    %get3A_33 = vector.load %arg5[%get3A_31, %get3A_32] : memref<128x128xf32, #tpu.memory_space<vmem>>, vector<128x128xf32>
    %dot_general3A = arith.constant dense<0.000000e+00> : vector<1000x128xf32>
    %dot_general3A_34 = tpu.matmul %add3A_18, %get3A_33, %dot_general3A {dimension_numbers = #tpu.dot_dimension_numbers<[1], [0], [0], [1], [0, 0, 1, 1], [], []>, transpose_lhs_hint = false} : vector<1000x128xf32>, vector<128x128xf32>, vector<1000x128xf32> -> vector<1000x128xf32>
    %get3A_35 = arith.constant 0 : index
    %get3A_36 = arith.constant 0 : index
    %get3A_37 = vector.load %arg10[%get3A_35, %get3A_36] : memref<1x128xf32, #tpu.memory_space<vmem>>, vector<1x128xf32>
    %mul3A_38 = vector.broadcast %mul3A_30 : vector<1000x1xf32> to vector<1000x128xf32>
    %mul3A_39 = arith.mulf %mul3A_38, %dot_general3A_34 : vector<1000x128xf32>
    %reduce_sum3A = arith.constant dense<0.000000e+00> : vector<128xf32>
    %reduce_sum3A_40 = vector.multi_reduction <add>, %mul3A_39, %reduce_sum3A [0] : vector<1000x128xf32> to vector<128xf32>
    %broadcast_in_dim3A_41 = vector.shape_cast %reduce_sum3A_40 : vector<128xf32> to vector<1x128xf32>
    %add3A_42 = arith.addf %get3A_37, %broadcast_in_dim3A_41 : vector<1x128xf32>
    %swap3A = arith.constant 0 : index
    %swap3A_43 = arith.constant 0 : index
    %swap3A_44 = vector.load %arg10[%swap3A, %swap3A_43] : memref<1x128xf32, #tpu.memory_space<vmem>>, vector<1x128xf32>
    tpu.vector_store %arg10[%swap3A, %swap3A_43], %add3A_42 {strides = array<i32>} : memref<1x128xf32, #tpu.memory_space<vmem>>, vector<1x128xf32>,
    %eq3A_45 = arith.constant 9 : i32
    %eq3A_46 = arith.cmpi eq, %arg0, %eq3A_45 : i32
    %convert_element_type3A_47 = arith.extui %eq3A_46 : i1 to i32
    %cond3A_48 = arith.constant 0 : i32
    %cond3A_49 = arith.cmpi ne, %convert_element_type3A_47, %cond3A_48 : i32
    scf.if %cond3A_49 {
      %get3A_50 = arith.constant 0 : index
      %get3A_51 = arith.constant 0 : index
      %get3A_52 = vector.load %arg10[%get3A_50, %get3A_51] : memref<1x128xf32, #tpu.memory_space<vmem>>, vector<1x128xf32>
      %mul3A_53 = arith.constant 9.99999974E-5 : f32
      %mul3A_54 = vector.broadcast %mul3A_53 : f32 to vector<1x128xf32>
      %mul3A_55 = arith.mulf %get3A_52, %mul3A_54 : vector<1x128xf32>
      %get3A_56 = arith.constant 0 : index
      %get3A_57 = vector.load %arg7[%get3A_56] : memref<128xf32, #tpu.memory_space<vmem>>, vector<128xf32>
      %broadcast_in_dim3A_58 = vector.shape_cast %get3A_57 : vector<128xf32> to vector<1x128xf32>
      %add3A_59 = arith.addf %mul3A_55, %broadcast_in_dim3A_58 : vector<1x128xf32>
      %get3A_60 = arith.constant 0 : index
      %get3A_61 = arith.constant 0 : index
      %get3A_62 = vector.load %arg6[%get3A_60, %get3A_61] : memref<128x1xf32, #tpu.memory_space<vmem>>, vector<128x1xf32>
      %dot_general3A_63 = arith.constant dense<0.000000e+00> : vector<1x1xf32>
      %dot_general3A_64 = tpu.matmul %add3A_59, %get3A_62, %dot_general3A_63 {dimension_numbers = #tpu.dot_dimension_numbers<[1], [0], [0], [1], [0, 0, 1, 1], [], []>, transpose_lhs_hint = false} : vector<1x128xf32>, vector<128x1xf32>, vector<1x1xf32> -> vector<1x1xf32>
      %get3A_65 = arith.constant 0 : index
      %get3A_66 = vector.load %arg8[%get3A_65] : memref<1xf32, #tpu.memory_space<vmem>>, vector<1xf32>
      %broadcast_in_dim3A_67 = vector.shape_cast %get3A_66 : vector<1xf32> to vector<1x1xf32>
      %add3A_68 = arith.addf %dot_general3A_64, %broadcast_in_dim3A_67 : vector<1x1xf32>
      %swap3A_69 = arith.constant 0 : index
      %swap3A_70 = arith.constant 0 : index
      %swap3A_71 = vector.load %arg9[%swap3A_69, %swap3A_70] : memref<1x1xf32, #tpu.memory_space<vmem>>, vector<1x1xf32>
      tpu.vector_store %arg9[%swap3A_69, %swap3A_70], %add3A_68 {strides = array<i32>} : memref<1x1xf32, #tpu.memory_space<vmem>>, vector<1x1xf32>,
    } else {
    }
    return
  }
  func.func @transform_0(%arg0: i32) -> (i32, i32, i32) {
    %c0_i32 = arith.constant 0 : i32
    %c0_i32_0 = arith.constant 0 : i32
    %c0_i32_1 = arith.constant 0 : i32
    return %c0_i32, %arg0, %c0_i32_0 : i32, i32, i32
  }
  func.func @transform_1(%arg0: i32) -> (i32, i32, i32) {
    %c0_i32 = arith.constant 0 : i32
    %c0_i32_0 = arith.constant 0 : i32
    %c0_i32_1 = arith.constant 0 : i32
    return %c0_i32, %arg0, %c0_i32_0 : i32, i32, i32
  }
  func.func @transform_2(%arg0: i32) -> (i32, i32) {
    %c0_i32 = arith.constant 0 : i32
    %c0_i32_0 = arith.constant 0 : i32
    return %arg0, %c0_i32 : i32, i32
  }
  func.func @transform_3(%arg0: i32) -> i32 {
    %c0_i32 = arith.constant 0 : i32
    %c0_i32_0 = arith.constant 0 : i32
    return %c0_i32 : i32
  }
  func.func @transform_4(%arg0: i32) -> (i32, i32) {
    %c0_i32 = arith.constant 0 : i32
    %c0_i32_0 = arith.constant 0 : i32
    %c0_i32_1 = arith.constant 0 : i32
    return %c0_i32, %c0_i32_0 : i32, i32
  }
  func.func @transform_5(%arg0: i32) -> (i32, i32) {
    %c0_i32 = arith.constant 0 : i32
    %c0_i32_0 = arith.constant 0 : i32
    %c0_i32_1 = arith.constant 0 : i32
    return %c0_i32, %c0_i32_0 : i32, i32
  }
  func.func @transform_6(%arg0: i32) -> i32 {
    %c0_i32 = arith.constant 0 : i32
    %c0_i32_0 = arith.constant 0 : i32
    return %c0_i32 : i32
  }
  func.func @transform_7(%arg0: i32) -> i32 {
    %c0_i32 = arith.constant 0 : i32
    %c0_i32_0 = arith.constant 0 : i32
    return %c0_i32 : i32
  }
  func.func @transform_8(%arg0: i32) -> (i32, i32) {
    %c0_i32 = arith.constant 0 : i32
    %c0_i32_0 = arith.constant 0 : i32
    %c0_i32_1 = arith.constant 0 : i32
    return %c0_i32, %c0_i32_0 : i32, i32
  }
}

</mosaic_0001>

<sc_bundles>
// kernel: kernel.11.cloned.1.call-start
scs
__scs_entry_jumppad:
0x0: {  	(pc) =	sbr.rel $0x88, $3  }
0x1: {  	(tag) =	ssettag $0x0;
	lr =	simm.s32 $0x1  }
0x2: {  	[smem:$0x3F97] =	sst lr;
	_ =	strace $0xD0000000  }
0x3: {  	_ = 	snop  }
0x4: {  	_ = 	snop  }
0x5: {  	_ = 	snop  }
0x6: {  	_ = 	snop  }
0x7: {  	_ = 	snop  }
__scs_overlays_trampoline_lowered:
0x8: {  	[smem:$0x3FA6] =	sst s0  }
0x9: {  	[smem:$0x3FA7] =	sst s1  }
0xa: {  	[smem:$0x3FA8] =	sst s2  }
0xb: {  	[smem:$0x3FA9] =	sst s3  }
0xc: {  	[smem:$0x3FAA] =	sst s4  }
0xd: {  	[smem:$0x3FAB] =	sst s5  }
0xe: {  	[smem:$0x3FAC] =	sst s6  }
0xf: {  	[smem:$0x3FAD] =	sst s7  }
0x10: {  	[smem:$0x3FAE] =	sst s8  }
0x11: {  	[smem:$0x3FAF] =	sst s9;
	s0 =	simm.s32 @!p0 $0x0  }
0x12: {  	s1 =	sld [smem:$0x3F95];
	s0 =	simm.s32 @p0 $0x1  }
0x13: {  	[smem:$0x3FB0] =	sst s0;
	s0 =	simm.s32 @!p1 $0x0  }
0x14: {  	s2 =	sld [smem:$0x3F94];
	s0 =	simm.s32 @p1 $0x1  }
0x15: {  	[smem:$0x3FB1] =	sst s0;
	s0 =	simm.s32 @!p2 $0x0  }
0x16: {  	s3 =	sld [smem:$0x3FDB];
	s0 =	simm.s32 @p2 $0x1  }
0x17: {  	s4 =	simm.s32 $0x1BF5;
	[smem:$0x3FB3] =	sst s0  }
0x18: {  	s0 =	sld [smem:$0x3F96];
	_ =	swait.ge [sflag:s4], $0x0  }
0x19: {  	s7 =	sld [smem:$0x3F97]  }
0x1a: {  	s8 =	sadd.s32 $0xFFFFE003, lr  }
0x1b: {  	s9 =	sadd.s32 $0xFFFFFEF7, lr;
	s5 =	simm.s32 $0xFFFFFFFF;
	p2 =	slt.u32 s8, $0xFFFFF086  }
0x1c: {  	p1 =	slt.u32 s9, $0xF7A;
	s5 =	simm.s32 @!p2 $0x0  }
0x1d: {  	s5 =	simm.s32 @p1 $0x1;
	p0 =	seq.s32 s7, s2  }
0x1e: {  	s7 =	smul.u32 @!p0 $0xF7A, s2;
	p2 =	seq.s32 @!p0 s5, $0x0  }
0x1f: {  	s9 =	smul.u32 $0xF7A, s1;
	s8 =	simm.s32 @!p0 $0x1BF5;
	p2 =	por !p2, p0  }
0x20: {  	[sflag:s8] =	ssyncset.s32 @!p0 $0xFFFFF086;
	s6 =	sadd.s32 @!p0 s3, s7;
	s7 =	simm.s32 @!p0 $0x108  }
0x21: {  	s3 =	sadd.s32 s3, s9;
	s6 =	sadd.s32 @!p0 $0x88, s6;
	s7 =	simm.s32 @p2 $0x1082  }
0x22: {  	[simem:s7], [sflag:s8] =	dma.local @!p0 [hbm:s6], $0xF7A  }
0x23: {  	s9 =	sor.u32 $0xD0000000, s2;
	s6 =	simm.s32 $0x108;
	_ =	swait.ge @!p0 [sflag:s8], $0x0  }
0x24: {  	s3 =	sadd.s32 $0x88, s3;
	s6 =	simm.s32 @!p1 $0x1082;
	[sflag:s4] =	ssyncset.s32 $0xFFFFF086  }
0x25: {  	[simem:s6], [sflag:s4] =	dma.local [hbm:s3], $0xF7A  }
0x26: {  	[smem:$0x3F97] =	sst s1;
	(tag) =	ssettag s2;
	_ =	strace s9  }
0x27: {  	s1 =	sld [smem:$0x3FA7]  }
0x28: {  	s2 =	sld [smem:$0x3FA8]  }
0x29: {  	s4 =	sld [smem:$0x3FAA]  }
0x2a: {  	p0 =	seq.s32 s5, $0x0;
	s5 =	sld [smem:$0x3FAB]  }
0x2b: {  	s6 =	sld [smem:$0x3FAC]  }
0x2c: {  	s7 =	sld [smem:$0x3FAD]  }
0x2d: {  	s3 =	simm.s32 $0x108;
	s8 =	sld [smem:$0x3FAE]  }
0x2e: {  	s3 =	simm.s32 @!p0 $0x1082;
	s9 =	sld [smem:$0x3FAF]  }
0x2f: {  	lr =	sadd.s32 s0, s3;
	s0 =	sld [smem:$0x3FA6]  }
0x30: {  	s3 =	sld [smem:$0x3FA9]  }
0x31: {  	[smem:$0x3FB2] =	sst s10  }
0x32: {  	s10 =	sld [smem:$0x3FB0];
	_ =	sdelay $0x3  }
0x33: {  	p0 =	seq.s32 s10, $0x1;
	s10 =	sld [smem:$0x3FB2];
	_ =	sdelay $0x3  }
0x34: {  	[smem:$0x3FB2] =	sst s10  }
0x35: {  	s10 =	sld [smem:$0x3FB1];
	_ =	sdelay $0x3  }
0x36: {  	p1 =	seq.s32 s10, $0x1;
	s10 =	sld [smem:$0x3FB2];
	_ =	sdelay $0x3  }
0x37: {  	[smem:$0x3FB2] =	sst s10  }
0x38: {  	s10 =	sld [smem:$0x3FB3]  }
0x39: {  	_ = 	snop;
	(pc) =	sbr.ind lr, $3  }
0x3a: {  	_ = 	snop  }
0x3b: {  	_ = 	snop  }
0x3c: {  	p2 =	seq.s32 s10, $0x1;
	s10 =	sld [smem:$0x3FB2]  }
0x3d: {  	_ =	shalt  }
0x3e: {  	_ =	shalt  }
0x3f: {  	_ =	shalt  }
0x40: {  	_ =	shalt  }
0x41: {  	_ =	shalt  }
0x42: {  	_ =	shalt  }
0x43: {  	_ =	shalt  }
0x44: {  	_ =	shalt  }
0x45: {  	_ =	shalt  }
0x46: {  	_ =	shalt  }
0x47: {  	_ =	shalt  }
0x48: {  	_ =	shalt  }
0x49: {  	_ =	shalt  }
0x4a: {  	_ =	shalt  }
0x4b: {  	_ =	shalt  }
0x4c: {  	_ =	shalt  }
0x4d: {  	_ =	shalt  }
0x4e: {  	_ =	shalt  }
0x4f: {  	_ =	shalt  }
0x50: {  	_ =	shalt  }
0x51: {  	_ =	shalt  }
0x52: {  	_ =	shalt  }
0x53: {  	_ =	shalt  }
0x54: {  	_ =	shalt  }
0x55: {  	_ =	shalt  }
0x56: {  	_ =	shalt  }
0x57: {  	_ =	shalt  }
0x58: {  	_ =	shalt  }
0x59: {  	_ =	shalt  }
0x5a: {  	_ =	shalt  }
0x5b: {  	_ =	shalt  }
0x5c: {  	_ =	shalt  }
0x5d: {  	_ =	shalt  }
0x5e: {  	_ =	shalt  }
0x5f: {  	_ =	shalt  }
0x60: {  	_ =	shalt  }
0x61: {  	_ =	shalt  }
0x62: {  	_ =	shalt  }
0x63: {  	_ =	shalt  }
0x64: {  	_ =	shalt  }
0x65: {  	_ =	shalt  }
0x66: {  	_ =	shalt  }
0x67: {  	_ =	shalt  }
0x68: {  	_ =	shalt  }
0x69: {  	_ =	shalt  }
0x6a: {  	_ =	shalt  }
0x6b: {  	_ =	shalt  }
0x6c: {  	_ =	shalt  }
0x6d: {  	_ =	shalt  }
0x6e: {  	_ =	shalt  }
0x6f: {  	_ =	shalt  }
0x70: {  	_ =	shalt  }
0x71: {  	_ =	shalt  }
0x72: {  	_ =	shalt  }
0x73: {  	_ =	shalt  }
0x74: {  	_ =	shalt  }
0x75: {  	_ =	shalt  }
0x76: {  	_ =	shalt  }
0x77: {  	_ =	shalt  }
0x78: {  	_ =	shalt  }
0x79: {  	_ =	shalt  }
0x7a: {  	_ =	shalt  }
0x7b: {  	_ =	shalt  }
0x7c: {  	_ =	shalt  }
0x7d: {  	_ =	shalt  }
0x7e: {  	_ =	shalt  }
0x7f: {  	_ =	shalt  }
0x80: {  	_ =	shalt  }
0x81: {  	_ =	shalt  }
0x82: {  	_ =	shalt  }
0x83: {  	_ =	shalt  }
0x84: {  	_ =	shalt  }
0x85: {  	_ =	shalt  }
0x86: {  	_ =	shalt  }
0x87: {  	_ =	shalt  }
.Lfunc_end0:
.L_simem_size_0:
called_computation.1_lowered:
.L_overlay_start_0:
0x88: {  	s2 =	sld [smem:$0x3FD9]  }
0x89: {  	s3 =	sld [smem:$0x3FFE];
	_ =	sdelay $0x1  }
0x8a: {  	s1 =	srdreg.scid  }
0x8b: {  	s0 =	sand.u32 $0x1, s1  }
0x8c: {  	s16 =	sshll.u32 s0, $0xA;
	s2 =	sadd.s32 s3, s2  }
0x8d: {  	s2 =	sadd.s32 s2, s16  }
0x8e: {  	[smem:$0x3FBE] =	sst s2  }
0x8f: {  	_ = 	snop  }
0x90: {  	(tm) =	ssettm $0x1  }
0x91: {  	s17 =	sld [smem:$0x3FFB];
	_ =	sdelay $0x3  }
0x92: {  	_ =	strace s17  }
0x93: {  	s2 =	sld [smem:$0x3FFC];
	_ =	sdelay $0x3  }
0x94: {  	_ =	strace s2  }
0x95: {  	s2 =	sld [smem:$0x3FFD];
	_ =	sdelay $0x3  }
0x96: {  	_ =	strace s2  }
0x97: {  	_ =	strace $0x8FFFFFFF  }
0x98: {  	s18 =	sld [smem:$0x3FDB];
	_ =	sdelay $0x1  }
0x99: {  	s19 =	simm.s32 $_scs_section_size  }
0x9a: {  	s4 =	simm.s32 $_size__tile_overlayer_lowered;
	s5 =	simm.s32 $_tile_overlayer_lowered  }
0x9b: {  	s22 =	simm.s32 $0x1BFF;
	s21 =	sshll.u32 s5, $0x1;
	s2 =	sadd.s32 s19, s18  }
0x9c: {  	s6 =	simm.s32 $0x0;
	s20 =	sshll.u32 s4, $0x1;
	s4 =	sadd.s32 s21, s2  }
0x9d: {  	[timem:s6], [sflag:s22] =	dma.local [hbm:s4], s20  }
0x9e: {  	_ =	swait.ge [sflag:s22], s20  }
0x9f: {  	s3 =	ssub.s32 $0x0, s20;
	[sflag:s22] =	ssyncset.done $0x0  }
0xa0: {  	[sflag:s22] =	ssyncadd.s32 s3;
	_ =	sdelay $0x1  }
0xa1: {  	s23 =	simm.s32 $0x1B8B  }
0xa2: {  	_ =	swait.ge [sflag:s23], $0x1  }
0xa3: {  	[sflag:s23] =	ssyncset.done $0x0  }
0xa4: {  	s25 =	simm.s32 $0x1B8E;
	s24 =	sld [smem:$0x3FFE];
	[sflag:s23] =	ssyncadd.s32 $0xFFFFFFFF  }
0xa5: {  	s26 =	simm.s32 $execute0_lowered;
	[smem:$0x3FD2] =	sst s25  }
0xa6: {  	s4 =	sshll.u32 s26, $0x1;
	_ =	strace $0x80000049;
	[dreg:$0x1] =	wrdreg $0xFFFFFFFF  }
0xa7: {  	s28 =	simm.s32 $_size_execute0_lowered;
	s2 =	sadd.s32 s2, s4;
	[dreg:$0x0] =	wrdreg $0x0  }
0xa8: {  	s4 =	sshll.u32 s28, $0x1;
	[dreg:$0x2] =	wrdreg s2  }
0xa9: {  	[dreg:$0x3] =	wrdreg s4  }
0xaa: {  	[dreg:$0x4] =	wrdreg $0xC0  }
0xab: {  	_ =	task [dreg:s6], $0x5FFFF  }
0xac: {  	[dreg:$0x1] =	wrdreg $0xFFFFFFFF  }
0xad: {  	[dreg:$0x0] =	wrdreg $0x60  }
0xae: {  	[dreg:$0x2] =	wrdreg s24  }
0xaf: {  	[dreg:$0x3] =	wrdreg $0xA1000  }
0xb0: {  	[dreg:$0x4] =	wrdreg $0x1DE000  }
0xb1: {  	[dreg:$0x5] =	wrdreg $0x9  }
0xb2: {  	_ =	task.clear_ibuf [dreg:s6], $0x6FFFF;
	_ =	strace $0x90000049  }
0xb3: {  	s29 =	simm.s32 $0x9;
	_ =	strace $0x8000004B  }
0xb4: {  	_ =	swait.ge [sflag:s29], $0x1  }
0xb5: {  	[sflag:s29] =	ssyncadd.s32 $0xFFFFFFFF  }
0xb6: {  	_ =	strace $0x9000004B  }
0xb7: {  	_ =	sfence  }
0xb8: {  	s30 =	sld [smem:$0x0];
	_ =	sdelay $0x2  }
0xb9: {  	s31 =	sshll.u32 s1, $0xD;
	s1 =	sshrl.u32 s1, $0x2  }
0xba: {  	s3 =	sand.u32 $0x4000, s31;
	s1 =	sadd.s32 s1, s30  }
0xbb: {  	s0 =	sor.u32 s3, s0;
	s1 =	sshll.u32 s1, $0x11  }
0xbc: {  	s0 =	sor.u32 s1, s0  }
0xbd: {  	s0 =	sadd.s32 $0x8F2B, s0  }
0xbe: {  	[sflag:s0] =	ssyncadd.remote.s32 $0x1  }
0xbf: {  	_ =	sfence.sel $0xFFFF  }
0xc0: {  	[dreg:$0x0] =	wrdreg $0xFFFFFFFF;
	(pc) =	sbr.abs _section_cstart, $3  }
0xc1: {  	[dreg:$0x1] =	wrdreg $0xFFFFFFFF  }
0xc2: {  	_ =	task.clear_ibuf [dreg:s6], $0x2FFFF;
	_ =	strace $0x9FFFFFFF  }
0xc3: {  	(tm) =	ssettm $0x7FFFFFFF  }
tec
execute0_lowered:
.L_overlay_start_1:
0x0: {  	(tag) =	ssettag $0x1  }
0x1: {  	s6 =	rddreg [dreg:$0x0]  }
0x2: {  	s0 =	srdreg.scid;
	s1 =	rddreg [dreg:$0x1]  }
0x3: {  	s7 =	stileid.u32;
	s2 =	rddreg [dreg:$0x2]  }
0x4: {  	s15 =	simm.s32 $0x9;
	s18 =	simm.s32 $0x50;
	s19 =	simm.s32 $0x4F00  }
0x5: {  	s28 =	simm.s32 $0x1;
	s29 =	simm.s32 $0x5;
	s30 =	simm.s32 $0x2  }
0x6: {  	s31 =	simm.s32 $0x6;
	s17 =	simm.s32 $0x7;
	s8 =	smul.u32 $0x13C00, s7  }
0x7: {  	s0 =	sand.u32 $0x1, s0;
	s12 =	smul.u32 $0x4F000, s7;
	s13 =	sadd.s32 $0x15200, s6  }
0x8: {  	s24 =	sshll.u32 s7, $0x6;
	p0 =	sne.s32 s7, $0x0;
	s9 =	smul.u32 $0x13C000, s0  }
0x9: {  	s3 =	sshll.u32 s0, $0x4;
	s20 =	smul.u32 $0x4F0, s0;
	s0 =	ssub.s32 $0x2, s0  }
0xa: {  	s16 =	sshrl.u32 @!p0 s2, $0x3;
	s4 =	sor.u32 s7, s3;
	s3 =	simm.s32 $0x0  }
0xb: {  	s11 =	sshrl.u32 s8, $0x3;
	s22 =	sshrl.u32 s0, $0x1;
	s23 =	sshrl.u32 s12, $0x2  }
0xc: {  	s7 =	simm.s32 $0x8;
	s5 =	smul.u32 $0x4E2, s4;
	[smem:$0x7FF] =	sst s3  }
0xd: {  	s4 =	sadd.s32 $0x15800, s6;
	s8 =	sadd.s32 s8, s9;
	s11 =	sadd.s32 s11, s6  }
0xe: {  	s0 =	ssub.s32 s0, s22;
	s9 =	sadd.s32 s23, s1;
	s22 =	simm.s32 $0x1DD00  }
0xf: {  	s23 =	simm.s32 $0x7800;
	_ =	strace $0x8000004A;
	s8 =	sshrl.u32 s8, $0x3  }
0x10: {  	[dreg:$0x4] =	wrdreg s13;
	s11 =	sadd.s32 $0x3D000, s11;
	s0 =	smax.u32 s0, $0x1  }
0x11: {  	s14 =	sshrl.u32 s9, $0x3;
	s9 =	simm.s32 $0x0;
	s10 =	sadd.s32 s5, s6  }
0x12: {  	s5 =	sadd.s32 $0x3CA00, s6;
	s21 =	sadd.s32 s8, s6;
	[dreg:$0x5] =	wrdreg s11  }
0x13: {  	s6 =	sadd.s32 s20, s6;
	[dreg:$0xa] =	wrdreg s0;
	s25 =	sadd.s32 $0x1600, s10  }
0x14: {  	s8 =	sor.u32 $0x1C09, s24;
	s10 =	sadd.s32 $0xB400, s10;
	[dreg:$0x6] =	wrdreg s25  }
0x15: {  	s20 =	simm.s32 $0x5000;
	s26 =	sadd.s32 $0x64800, s21;
	[dreg:$0x7] =	wrdreg s10  }
0x16: {  	s24 =	simm.s32 $0x7900;
	s6 =	sadd.s32 $0xB3800, s6;
	[dreg:$0x8] =	wrdreg s26  }
0x17: {  	s0 =	simm.s32 $0x3;
	s21 =	simm.s32 $0x4F80;
	[dreg:$0x9] =	wrdreg s6  }
0x18: {  	s25 =	simm.s32 $0x7880;
	s26 =	simm.s32 $0x1DD80;
	s6 =	simm.s32 $0x4  }
.LBB2_1:
0x19: {  	s10 =	rddreg [dreg:$0x5]  }
0x1a: {  	[spmem:s14], [sflag:s8] =	dma.local [hbm:s10], $0x2780  }
0x1b: {  	_ =	swait.ge [sflag:s15], $0x2780  }
0x1c: {  	[sflag:s15] =	ssyncset.done $0x0  }
0x1d: {  	s10 =	rddreg [dreg:$0x4];
	[sflag:s15] =	ssyncadd.s32 $0xFFFFD880  }
0x1e: {  	[spmem:s16], [sflag:s8] =	dma.local @!p0 [hbm:s10], $0x4F0  }
0x1f: {  	s10 =	simm.s32 @!p0 $0x9  }
0x20: {  	_ =	swait.ge @!p0 [sflag:s10], $0x4F0  }
0x21: {  	[sflag:s10] =	ssyncset.done @!p0 $0x0  }
0x22: {  	s11 =	rddreg [dreg:$0x6];
	[sflag:s10] =	ssyncadd.s32 @!p0 $0xFFFFFB10  }
0x23: {  	[tilespmem:s3], [sflag:$0x9] =	stream.linear.gather [hbm4b:s11+s3], $0x2710, $0x38;
	[tilespmem:$0x1E078] =	vst v63  }
0x24: {  	_ =	swait.ge [sflag:s15], $0x2710  }
0x25: {  	[sflag:s15] =	ssyncset.done $0x0  }
0x26: {  	s11 =	simm.s32 $0x2780;
	s12 =	rddreg [dreg:$0x7];
	[sflag:s15] =	ssyncadd.s32 $0xFFFFD8F0  }
0x27: {  	[tilespmem:s11], [sflag:$0x9] =	stream.linear.gather [hbm4b:s12+s3], $0x2710, $0x38;
	[tilespmem:$0x1E078] =	vst v63  }
0x28: {  	_ =	swait.ge [sflag:s15], $0x2710  }
0x29: {  	[sflag:s15] =	ssyncset.done $0x0  }
0x2a: {  	[sflag:s15] =	ssyncadd.s32 $0xFFFFD8F0  }
0x2b: {  	[bflag:$0x0] =	sbarrier.arrive $0xFFFF  }
0x2c: {  	v0 =	vld [tilespmem:s18+$0xFFFFFFB0];
	_ =	sdelay $0x4  }
0x2d: {  	s10 =	simm.s32 $0x27D0;
	[tilespmem:$0x4F00] =	vst v0  }
0x2e: {  	v0 =	vld [tilespmem:s10+$0xFFFFFFB0];
	_ =	sdelay $0x4  }
0x2f: {  	[tilespmem:$0x4F80] =	vst v0  }
0x30: {  	v0 =	vld [tilespmem:s18+$0xFFFFFFC0];
	_ =	sdelay $0x4  }
0x31: {  	[tilespmem:$0x4F10] =	vst v0  }
0x32: {  	v0 =	vld [tilespmem:s10+$0xFFFFFFC0];
	_ =	sdelay $0x4  }
0x33: {  	[tilespmem:$0x4F90] =	vst v0  }
0x34: {  	v0 =	vld [tilespmem:s18+$0xFFFFFFD0];
	_ =	sdelay $0x4  }
0x35: {  	[tilespmem:$0x4F20] =	vst v0  }
0x36: {  	v0 =	vld [tilespmem:s10+$0xFFFFFFD0];
	_ =	sdelay $0x4  }
0x37: {  	[tilespmem:$0x4FA0] =	vst v0  }
0x38: {  	v0 =	vld [tilespmem:s18+$0xFFFFFFE0];
	_ =	sdelay $0x4  }
0x39: {  	[tilespmem:$0x4F30] =	vst v0  }
0x3a: {  	v0 =	vld [tilespmem:s10+$0xFFFFFFE0];
	_ =	sdelay $0x4  }
0x3b: {  	[tilespmem:$0x4FB0] =	vst v0  }
0x3c: {  	v0 =	vld [tilespmem:s18+$0xFFFFFFF0];
	_ =	sdelay $0x4  }
0x3d: {  	[tilespmem:$0x4F40] =	vst v0  }
0x3e: {  	v0 =	vld [tilespmem:s10+$0xFFFFFFF0];
	_ =	sdelay $0x4  }
0x3f: {  	[tilespmem:$0x4FC0] =	vst v0  }
0x40: {  	[tilespmem:s20], [sflag:$0x1] =	stream.indirect.gather [hbm4b:s4+s18], $0x80, s19, s18, $0xb8;
	[tilespmem:$0x1E078] =	vst v63  }
0x41: {  	_ = 	snop  }
0x42: {  	[tilespmem:s22], [sflag:$0x5] =	stream.indirect.gather [hbm4b:s5+s18], $0x1, s21, s18, $0xb8;
	[tilespmem:$0x1E078] =	vst v63  }
0x43: {  	v0 =	vld [tilespmem:s18+$0x0];
	_ =	sdelay $0x4  }
0x44: {  	[tilespmem:$0x7800] =	vst v0  }
0x45: {  	v0 =	vld [tilespmem:s10+$0x0];
	_ =	sdelay $0x4  }
0x46: {  	[tilespmem:$0x7880] =	vst v0  }
0x47: {  	v0 =	vld [tilespmem:s18+$0x10];
	_ =	sdelay $0x4  }
0x48: {  	[tilespmem:$0x7810] =	vst v0  }
0x49: {  	v0 =	vld [tilespmem:s10+$0x10];
	_ =	sdelay $0x4  }
0x4a: {  	[tilespmem:$0x7890] =	vst v0  }
0x4b: {  	v0 =	vld [tilespmem:s18+$0x20];
	_ =	sdelay $0x4  }
0x4c: {  	[tilespmem:$0x7820] =	vst v0  }
0x4d: {  	v0 =	vld [tilespmem:s10+$0x20];
	_ =	sdelay $0x4  }
0x4e: {  	s13 =	sand.u32 $0x3FE0, s3;
	[tilespmem:$0x78A0] =	vst v0  }
0x4f: {  	v0 =	vld [tilespmem:s13+$0x80];
	_ =	sdelay $0x4  }
0x50: {  	[tilespmem:$0x7830] =	vst v0  }
0x51: {  	v0 =	vld [tilespmem:s13+$0x2800];
	_ =	sdelay $0x4  }
0x52: {  	[tilespmem:$0x78B0] =	vst v0  }
0x53: {  	v0 =	vld [tilespmem:s18+$0x40];
	_ =	sdelay $0x4  }
0x54: {  	[tilespmem:$0x7840] =	vst v0  }
0x55: {  	v0 =	vld [tilespmem:s10+$0x40];
	_ =	sdelay $0x4  }
0x56: {  	[tilespmem:$0x78C0] =	vst v0  }
0x57: {  	[tilespmem:s24], [sflag:$0x3] =	stream.indirect.gather [hbm4b:s4+s18], $0x80, s23, s18, $0xb8;
	[tilespmem:$0x1E078] =	vst v63  }
0x58: {  	_ = 	snop  }
0x59: {  	[tilespmem:s26], [sflag:$0x7] =	stream.indirect.gather [hbm4b:s5+s18], $0x1, s25, s18, $0xb8;
	[tilespmem:$0x1E078] =	vst v63  }
0x5a: {  	_ =	swait.ge [sflag:s28], $0x2800  }
0x5b: {  	[sflag:s28] =	ssyncset.done $0x0  }
0x5c: {  	[sflag:s28] =	ssyncadd.s32 $0xFFFFD800  }
0x5d: {  	_ =	swait.ge [sflag:s29], $0x50  }
0x5e: {  	[sflag:s29] =	ssyncset.done $0x0  }
0x5f: {  	[sflag:s29] =	ssyncadd.s32 $0xFFFFFFB0  }
0x60: {  	[spmem:s1] =	stream.indirect.scatter.add.f32 [tilespmem:s20], [sflag:$0x2], $0x80, s21, s18, $0xb8;
	[tilespmem:$0x1E078] =	vst v63  }
0x61: {  	_ = 	snop  }
0x62: {  	[spmem:s2] =	stream.indirect.scatter.add.f32 [tilespmem:s22], [sflag:$0x6], $0x1, s19, s18, $0xb8;
	[tilespmem:$0x1E078] =	vst v63  }
0x63: {  	_ =	swait.ge [sflag:s30], $0x2800  }
0x64: {  	[sflag:s30] =	ssyncset.done $0x0  }
0x65: {  	[sflag:s30] =	ssyncadd.s32 $0xFFFFD800  }
0x66: {  	_ =	swait.ge [sflag:s31], $0x50  }
0x67: {  	[sflag:s31] =	ssyncset.done $0x0  }
0x68: {  	[sflag:s31] =	ssyncadd.s32 $0xFFFFFFB0  }
0x69: {  	_ =	swait.ge [sflag:s0], $0x2800  }
0x6a: {  	[sflag:s0] =	ssyncset.done $0x0  }
0x6b: {  	[sflag:s0] =	ssyncadd.s32 $0xFFFFD800  }
0x6c: {  	_ =	swait.ge [sflag:s17], $0x50  }
0x6d: {  	[sflag:s17] =	ssyncset.done $0x0  }
0x6e: {  	[sflag:s17] =	ssyncadd.s32 $0xFFFFFFB0  }
0x6f: {  	[spmem:s1] =	stream.indirect.scatter.add.f32 [tilespmem:s24], [sflag:$0x4], $0x80, s25, s18, $0xb8;
	[tilespmem:$0x1E078] =	vst v63  }
0x70: {  	_ = 	snop  }
0x71: {  	[spmem:s2] =	stream.indirect.scatter.add.f32 [tilespmem:s26], [sflag:$0x8], $0x1, s23, s18, $0xb8;
	[tilespmem:$0x1E078] =	vst v63  }
0x72: {  	_ =	swait.ge [sflag:s6], $0x2800  }
0x73: {  	[sflag:s6] =	ssyncset.done $0x0  }
0x74: {  	[sflag:s6] =	ssyncadd.s32 $0xFFFFD800  }
0x75: {  	_ =	swait.ge [sflag:s7], $0x50  }
0x76: {  	s11 =	simm.s32 $0xA0;
	s12 =	simm.s32 $0x50;
	[sflag:s7] =	ssyncset.done $0x0  }
.LBB2_2:
0x77: {  	[sflag:s7] =	ssyncadd.s32 $0xFFFFFFB0;
	s12 =	sadd.s32 $0xA0, s12;
	s10 =	sadd.s32 $0xA0, s10  }
0x78: {  	p1 =	sne.s32 s11, $0x2620;
	s13 =	smov.u32 s11;
	s11 =	sadd.s32 $0xA0, s11;
	v0 =	vld [tilespmem:s12+$0xFFFFFFB0]  }
0x79: {  	_ =	sdelay $0x3  }
0x7a: {  	[tilespmem:$0x4F00] =	vst v0  }
0x7b: {  	v0 =	vld [tilespmem:s10+$0xFFFFFFB0];
	_ =	sdelay $0x4  }
0x7c: {  	[tilespmem:$0x4F80] =	vst v0  }
0x7d: {  	v0 =	vld [tilespmem:s12+$0xFFFFFFC0];
	_ =	sdelay $0x4  }
0x7e: {  	[tilespmem:$0x4F10] =	vst v0  }
0x7f: {  	v0 =	vld [tilespmem:s10+$0xFFFFFFC0];
	_ =	sdelay $0x4  }
0x80: {  	[tilespmem:$0x4F90] =	vst v0  }
0x81: {  	v0 =	vld [tilespmem:s12+$0xFFFFFFD0];
	_ =	sdelay $0x4  }
0x82: {  	[tilespmem:$0x4F20] =	vst v0  }
0x83: {  	v0 =	vld [tilespmem:s10+$0xFFFFFFD0];
	_ =	sdelay $0x4  }
0x84: {  	[tilespmem:$0x4FA0] =	vst v0  }
0x85: {  	v0 =	vld [tilespmem:s12+$0xFFFFFFE0];
	_ =	sdelay $0x4  }
0x86: {  	[tilespmem:$0x4F30] =	vst v0  }
0x87: {  	v0 =	vld [tilespmem:s10+$0xFFFFFFE0];
	_ =	sdelay $0x4  }
0x88: {  	[tilespmem:$0x4FB0] =	vst v0  }
0x89: {  	v0 =	vld [tilespmem:s12+$0xFFFFFFF0];
	_ =	sdelay $0x4  }
0x8a: {  	[tilespmem:$0x4F40] =	vst v0  }
0x8b: {  	v0 =	vld [tilespmem:s10+$0xFFFFFFF0];
	_ =	sdelay $0x4  }
0x8c: {  	[tilespmem:$0x4FC0] =	vst v0  }
0x8d: {  	[tilespmem:s20], [sflag:$0x1] =	stream.indirect.gather [hbm4b:s4+s18], $0x80, s19, s18, $0xb8;
	[tilespmem:$0x1E078] =	vst v63  }
0x8e: {  	_ = 	snop  }
0x8f: {  	[tilespmem:s22], [sflag:$0x5] =	stream.indirect.gather [hbm4b:s5+s18], $0x1, s21, s18, $0xb8;
	[tilespmem:$0x1E078] =	vst v63  }
0x90: {  	v0 =	vld [tilespmem:s12+$0x0];
	_ =	sdelay $0x4  }
0x91: {  	[tilespmem:$0x7800] =	vst v0  }
0x92: {  	v0 =	vld [tilespmem:s10+$0x0];
	_ =	sdelay $0x4  }
0x93: {  	[tilespmem:$0x7880] =	vst v0  }
0x94: {  	v0 =	vld [tilespmem:s12+$0x10];
	_ =	sdelay $0x4  }
0x95: {  	[tilespmem:$0x7810] =	vst v0  }
0x96: {  	v0 =	vld [tilespmem:s10+$0x10];
	_ =	sdelay $0x4  }
0x97: {  	[tilespmem:$0x7890] =	vst v0  }
0x98: {  	v0 =	vld [tilespmem:s12+$0x20];
	_ =	sdelay $0x4  }
0x99: {  	[tilespmem:$0x7820] =	vst v0  }
0x9a: {  	v0 =	vld [tilespmem:s10+$0x20];
	_ =	sdelay $0x4  }
0x9b: {  	s13 =	sand.u32 $0x3FE0, s13;
	[tilespmem:$0x78A0] =	vst v0  }
0x9c: {  	v0 =	vld [tilespmem:s13+$0x80];
	_ =	sdelay $0x4  }
0x9d: {  	[tilespmem:$0x7830] =	vst v0  }
0x9e: {  	v0 =	vld [tilespmem:s13+$0x2800];
	_ =	sdelay $0x4  }
0x9f: {  	[tilespmem:$0x78B0] =	vst v0  }
0xa0: {  	v0 =	vld [tilespmem:s12+$0x40];
	_ =	sdelay $0x4  }
0xa1: {  	[tilespmem:$0x7840] =	vst v0  }
0xa2: {  	v0 =	vld [tilespmem:s10+$0x40];
	_ =	sdelay $0x4  }
0xa3: {  	[tilespmem:$0x78C0] =	vst v0  }
0xa4: {  	[tilespmem:s24], [sflag:$0x3] =	stream.indirect.gather [hbm4b:s4+s18], $0x80, s23, s18, $0xb8;
	[tilespmem:$0x1E078] =	vst v63  }
0xa5: {  	_ = 	snop  }
0xa6: {  	[tilespmem:s26], [sflag:$0x7] =	stream.indirect.gather [hbm4b:s5+s18], $0x1, s25, s18, $0xb8;
	[tilespmem:$0x1E078] =	vst v63  }
0xa7: {  	_ =	swait.ge [sflag:s28], $0x2800  }
0xa8: {  	[sflag:s28] =	ssyncset.done $0x0  }
0xa9: {  	[sflag:s28] =	ssyncadd.s32 $0xFFFFD800  }
0xaa: {  	_ =	swait.ge [sflag:s29], $0x50  }
0xab: {  	[sflag:s29] =	ssyncset.done $0x0  }
0xac: {  	[sflag:s29] =	ssyncadd.s32 $0xFFFFFFB0  }
0xad: {  	[spmem:s1] =	stream.indirect.scatter.add.f32 [tilespmem:s20], [sflag:$0x2], $0x80, s21, s18, $0xb8;
	[tilespmem:$0x1E078] =	vst v63  }
0xae: {  	_ = 	snop  }
0xaf: {  	[spmem:s2] =	stream.indirect.scatter.add.f32 [tilespmem:s22], [sflag:$0x6], $0x1, s19, s18, $0xb8;
	[tilespmem:$0x1E078] =	vst v63  }
0xb0: {  	_ =	swait.ge [sflag:s30], $0x2800  }
0xb1: {  	[sflag:s30] =	ssyncset.done $0x0  }
0xb2: {  	[sflag:s30] =	ssyncadd.s32 $0xFFFFD800  }
0xb3: {  	_ =	swait.ge [sflag:s31], $0x50  }
0xb4: {  	[sflag:s31] =	ssyncset.done $0x0  }
0xb5: {  	[sflag:s31] =	ssyncadd.s32 $0xFFFFFFB0  }
0xb6: {  	_ =	swait.ge [sflag:s0], $0x2800  }
0xb7: {  	[sflag:s0] =	ssyncset.done $0x0  }
0xb8: {  	[sflag:s0] =	ssyncadd.s32 $0xFFFFD800  }
0xb9: {  	_ =	swait.ge [sflag:s17], $0x50  }
0xba: {  	[sflag:s17] =	ssyncset.done $0x0  }
0xbb: {  	[sflag:s17] =	ssyncadd.s32 $0xFFFFFFB0  }
0xbc: {  	[spmem:s1] =	stream.indirect.scatter.add.f32 [tilespmem:s24], [sflag:$0x4], $0x80, s25, s18, $0xb8;
	[tilespmem:$0x1E078] =	vst v63  }
0xbd: {  	_ = 	snop  }
0xbe: {  	[spmem:s2] =	stream.indirect.scatter.add.f32 [tilespmem:s26], [sflag:$0x8], $0x1, s23, s18, $0xb8;
	[tilespmem:$0x1E078] =	vst v63  }
.Ltmp0:
0xbf: {  	_ =	swait.ge [sflag:s6], $0x2800;
	(pc) =	sbr.rel @p1 .LBB2_2-.Ltmp0, $4  }
0xc0: {  	[sflag:s6] =	ssyncset.done $0x0  }
0xc1: {  	[sflag:s6] =	ssyncadd.s32 $0xFFFFD800  }
0xc2: {  	_ =	swait.ge [sflag:s7], $0x50  }
0xc3: {  	[sflag:s7] =	ssyncset.done $0x0  }
0xc4: {  	[sflag:s7] =	ssyncadd.s32 $0xFFFFFFB0  }
0xc5: {  	v0 =	vld [tilespmem:$0x26C0]  }
0xc6: {  	v1 =	vld [tilespmem:$0x4E40]  }
0xc7: {  	v2 =	vld [tilespmem:$0x26D0]  }
0xc8: {  	v3 =	vld [tilespmem:$0x4E50]  }
0xc9: {  	v4 =	vld [tilespmem:$0x26E0]  }
0xca: {  	v59 =	vld [tilespmem:$0x4E60];
	[tilespmem:$0x4F00] =	vst v0  }
0xcb: {  	v60 =	vld [tilespmem:$0x26F0];
	[tilespmem:$0x4F80] =	vst v1  }
0xcc: {  	v61 =	vld [tilespmem:$0x4E70];
	[tilespmem:$0x4F10] =	vst v2  }
0xcd: {  	v62 =	vld [tilespmem:$0x2700];
	[tilespmem:$0x4F90] =	vst v3  }
0xce: {  	v63 =	vld [tilespmem:$0x4E80];
	[tilespmem:$0x4F20] =	vst v4  }
0xcf: {  	[tilespmem:$0x4FA0] =	vst v59  }
0xd0: {  	[tilespmem:$0x4F30] =	vst v60  }
0xd1: {  	[tilespmem:$0x4FB0] =	vst v61  }
0xd2: {  	[tilespmem:$0x4F40] =	vst v62  }
0xd3: {  	[tilespmem:$0x4FC0] =	vst v63  }
0xd4: {  	[tilespmem:s20], [sflag:$0x1] =	stream.indirect.gather [hbm4b:s4+s18], $0x80, s19, s18, $0xb8;
	[tilespmem:$0x1E078] =	vst v63  }
0xd5: {  	_ = 	snop  }
0xd6: {  	[tilespmem:s22], [sflag:$0x5] =	stream.indirect.gather [hbm4b:s5+s18], $0x1, s21, s18, $0xb8;
	[tilespmem:$0x1E078] =	vst v63  }
0xd7: {  	_ =	swait.ge [sflag:s28], $0x2800  }
0xd8: {  	[sflag:s28] =	ssyncset.done $0x0  }
0xd9: {  	[sflag:s28] =	ssyncadd.s32 $0xFFFFD800  }
0xda: {  	_ =	swait.ge [sflag:s29], $0x50  }
0xdb: {  	[sflag:s29] =	ssyncset.done $0x0  }
0xdc: {  	[sflag:s29] =	ssyncadd.s32 $0xFFFFFFB0  }
0xdd: {  	[spmem:s1] =	stream.indirect.scatter.add.f32 [tilespmem:s20], [sflag:$0x2], $0x80, s21, s18, $0xb8;
	[tilespmem:$0x1E078] =	vst v63  }
0xde: {  	_ = 	snop  }
0xdf: {  	[spmem:s2] =	stream.indirect.scatter.add.f32 [tilespmem:s22], [sflag:$0x6], $0x1, s19, s18, $0xb8;
	[tilespmem:$0x1E078] =	vst v63  }
0xe0: {  	_ =	swait.ge [sflag:s30], $0x2800  }
0xe1: {  	[sflag:s30] =	ssyncset.done $0x0  }
0xe2: {  	[sflag:s30] =	ssyncadd.s32 $0xFFFFD800  }
0xe3: {  	_ =	swait.ge [sflag:s31], $0x50  }
0xe4: {  	[sflag:s31] =	ssyncset.done $0x0  }
0xe5: {  	[sflag:s31] =	ssyncadd.s32 $0xFFFFFFB0  }
0xe6: {  	[bflag:$0x0] =	sbarrier.arrive $0xFFFF  }
0xe7: {  	s10 =	rddreg [dreg:$0x8]  }
0xe8: {  	[hbm:s10], [sflag:s8] =	dma.local [spmem:s14], $0x2780  }
0xe9: {  	_ =	swait.ge [sflag:s15], $0x2780  }
0xea: {  	[sflag:s15] =	ssyncset.done $0x0  }
0xeb: {  	s10 =	rddreg [dreg:$0x9];
	[sflag:s15] =	ssyncadd.s32 $0xFFFFD880  }
0xec: {  	[hbm:s10], [sflag:s8] =	dma.local @!p0 [spmem:s16], $0x4F0  }
0xed: {  	s10 =	simm.s32 @!p0 $0x9  }
0xee: {  	_ =	swait.ge @!p0 [sflag:s10], $0x4F0  }
0xef: {  	s9 =	sadd.s32 $0x1, s9;
	s11 =	rddreg [dreg:$0xa]  }
0xf0: {  	p1 =	sne.s32 s9, s11  }
.Ltmp1:
0xf1: {  	_ = 	snop;
	(pc) =	sbr.rel @p1 .LBB2_1-.Ltmp1, $3  }
0xf2: {  	_ =	sdelay $0x1  }
0xf3: {  	[sflag:s10] =	ssyncset.done @!p0 $0x0  }
0xf4: {  	[sflag:s10] =	ssyncadd.s32 @!p0 $0xFFFFFB10  }
0xf5: {  	_ =	sfence.sel $0x180000  }
0xf6: {  	[bflag:$0x0] =	sbarrier.arrive $0xFFFF  }
0xf7: {  	_ =	strace $0x9000004A  }
0xf8: {  	[bflag:$0x2] =	sbarrier.arrive $0xFFFF  }
0xf9: {  	s0 =	rddreg [dreg:$0x3]  }
0xfa: {  	s0 =	sadd.s32 @!p0 $0x100000, s0  }
0xfb: {  	[sflag:s0] =	ssyncadd.tile.s32 @!p0 $0x1;
	_ =	shalt  }
.Lfunc_end2:
_tile_overlayer_lowered:
.L_overlay_start_2:
0xfc: {  	(tag) =	ssettag $0x2  }
0xfd: {  	s0 =	rddreg [dreg:$0x0];
	s2 =	stileid.u32  }
0xfe: {  	s1 =	rddreg [dreg:$0x1];
	p0 =	sne.s32 s2, $0x0  }
0xff: {  	s3 =	rddreg [dreg:$0x2];
	[bflag:$0x3] =	sbarrier.arrive $0xFFFF;
	s2 =	simm.s32 @!p0 $0x1C09  }
0x100: {  	[timem:s3], [sflag:s2] =	dma.local @!p0 [hbm:s0], s1  }
0x101: {  	s0 =	simm.s32 @!p0 $0x9  }
0x102: {  	_ =	swait.ge @!p0 [sflag:s0], s1  }
0x103: {  	s1 =	ssub.s32 @!p0 $0x0, s1;
	[sflag:s0] =	ssyncset.done @!p0 $0x0  }
0x104: {  	[sflag:s0] =	ssyncadd.s32 @!p0 s1  }
0x105: {  	[bflag:$0x3] =	sbarrier.arrive $0xFFFF  }
0x106: {  	_ =	shalt  }

// kernel: kernel.14.cloned.1.call-start
scs
__scs_entry_jumppad:
0x0: {  	(pc) =	sbr.rel $0x88, $3  }
0x1: {  	(tag) =	ssettag $0x0;
	lr =	simm.s32 $0x1  }
0x2: {  	[smem:$0x3F97] =	sst lr;
	_ =	strace $0xD0000000  }
0x3: {  	_ = 	snop  }
0x4: {  	_ = 	snop  }
0x5: {  	_ = 	snop  }
0x6: {  	_ = 	snop  }
0x7: {  	_ = 	snop  }
__scs_overlays_trampoline_lowered:
0x8: {  	[smem:$0x3FA6] =	sst s0  }
0x9: {  	[smem:$0x3FA7] =	sst s1  }
0xa: {  	[smem:$0x3FA8] =	sst s2  }
0xb: {  	[smem:$0x3FA9] =	sst s3  }
0xc: {  	[smem:$0x3FAA] =	sst s4  }
0xd: {  	[smem:$0x3FAB] =	sst s5  }
0xe: {  	[smem:$0x3FAC] =	sst s6  }
0xf: {  	[smem:$0x3FAD] =	sst s7  }
0x10: {  	[smem:$0x3FAE] =	sst s8  }
0x11: {  	[smem:$0x3FAF] =	sst s9;
	s0 =	simm.s32 @!p0 $0x0  }
0x12: {  	s1 =	sld [smem:$0x3F95];
	s0 =	simm.s32 @p0 $0x1  }
0x13: {  	[smem:$0x3FB0] =	sst s0;
	s0 =	simm.s32 @!p1 $0x0  }
0x14: {  	s2 =	sld [smem:$0x3F94];
	s0 =	simm.s32 @p1 $0x1  }
0x15: {  	[smem:$0x3FB1] =	sst s0;
	s0 =	simm.s32 @!p2 $0x0  }
0x16: {  	s3 =	sld [smem:$0x3FDB];
	s0 =	simm.s32 @p2 $0x1  }
0x17: {  	s4 =	simm.s32 $0x1BF5;
	[smem:$0x3FB3] =	sst s0  }
0x18: {  	s0 =	sld [smem:$0x3F96];
	_ =	swait.ge [sflag:s4], $0x0  }
0x19: {  	s7 =	sld [smem:$0x3F97]  }
0x1a: {  	s8 =	sadd.s32 $0xFFFFE003, lr  }
0x1b: {  	s9 =	sadd.s32 $0xFFFFFEF7, lr;
	s5 =	simm.s32 $0xFFFFFFFF;
	p2 =	slt.u32 s8, $0xFFFFF086  }
0x1c: {  	p1 =	slt.u32 s9, $0xF7A;
	s5 =	simm.s32 @!p2 $0x0  }
0x1d: {  	s5 =	simm.s32 @p1 $0x1;
	p0 =	seq.s32 s7, s2  }
0x1e: {  	s7 =	smul.u32 @!p0 $0xF7A, s2;
	p2 =	seq.s32 @!p0 s5, $0x0  }
0x1f: {  	s9 =	smul.u32 $0xF7A, s1;
	s8 =	simm.s32 @!p0 $0x1BF5;
	p2 =	por !p2, p0  }
0x20: {  	[sflag:s8] =	ssyncset.s32 @!p0 $0xFFFFF086;
	s6 =	sadd.s32 @!p0 s3, s7;
	s7 =	simm.s32 @!p0 $0x108  }
0x21: {  	s3 =	sadd.s32 s3, s9;
	s6 =	sadd.s32 @!p0 $0x88, s6;
	s7 =	simm.s32 @p2 $0x1082  }
0x22: {  	[simem:s7], [sflag:s8] =	dma.local @!p0 [hbm:s6], $0xF7A  }
0x23: {  	s9 =	sor.u32 $0xD0000000, s2;
	s6 =	simm.s32 $0x108;
	_ =	swait.ge @!p0 [sflag:s8], $0x0  }
0x24: {  	s3 =	sadd.s32 $0x88, s3;
	s6 =	simm.s32 @!p1 $0x1082;
	[sflag:s4] =	ssyncset.s32 $0xFFFFF086  }
0x25: {  	[simem:s6], [sflag:s4] =	dma.local [hbm:s3], $0xF7A  }
0x26: {  	[smem:$0x3F97] =	sst s1;
	(tag) =	ssettag s2;
	_ =	strace s9  }
0x27: {  	s1 =	sld [smem:$0x3FA7]  }
0x28: {  	s2 =	sld [smem:$0x3FA8]  }
0x29: {  	s4 =	sld [smem:$0x3FAA]  }
0x2a: {  	p0 =	seq.s32 s5, $0x0;
	s5 =	sld [smem:$0x3FAB]  }
0x2b: {  	s6 =	sld [smem:$0x3FAC]  }
0x2c: {  	s7 =	sld [smem:$0x3FAD]  }
0x2d: {  	s3 =	simm.s32 $0x108;
	s8 =	sld [smem:$0x3FAE]  }
0x2e: {  	s3 =	simm.s32 @!p0 $0x1082;
	s9 =	sld [smem:$0x3FAF]  }
0x2f: {  	lr =	sadd.s32 s0, s3;
	s0 =	sld [smem:$0x3FA6]  }
0x30: {  	s3 =	sld [smem:$0x3FA9]  }
0x31: {  	[smem:$0x3FB2] =	sst s10  }
0x32: {  	s10 =	sld [smem:$0x3FB0];
	_ =	sdelay $0x3  }
0x33: {  	p0 =	seq.s32 s10, $0x1;
	s10 =	sld [smem:$0x3FB2];
	_ =	sdelay $0x3  }
0x34: {  	[smem:$0x3FB2] =	sst s10  }
0x35: {  	s10 =	sld [smem:$0x3FB1];
	_ =	sdelay $0x3  }
0x36: {  	p1 =	seq.s32 s10, $0x1;
	s10 =	sld [smem:$0x3FB2];
	_ =	sdelay $0x3  }
0x37: {  	[smem:$0x3FB2] =	sst s10  }
0x38: {  	s10 =	sld [smem:$0x3FB3]  }
0x39: {  	_ = 	snop;
	(pc) =	sbr.ind lr, $3  }
0x3a: {  	_ = 	snop  }
0x3b: {  	_ = 	snop  }
0x3c: {  	p2 =	seq.s32 s10, $0x1;
	s10 =	sld [smem:$0x3FB2]  }
0x3d: {  	_ =	shalt  }
0x3e: {  	_ =	shalt  }
0x3f: {  	_ =	shalt  }
0x40: {  	_ =	shalt  }
0x41: {  	_ =	shalt  }
0x42: {  	_ =	shalt  }
0x43: {  	_ =	shalt  }
0x44: {  	_ =	shalt  }
0x45: {  	_ =	shalt  }
0x46: {  	_ =	shalt  }
0x47: {  	_ =	shalt  }
0x48: {  	_ =	shalt  }
0x49: {  	_ =	shalt  }
0x4a: {  	_ =	shalt  }
0x4b: {  	_ =	shalt  }
0x4c: {  	_ =	shalt  }
0x4d: {  	_ =	shalt  }
0x4e: {  	_ =	shalt  }
0x4f: {  	_ =	shalt  }
0x50: {  	_ =	shalt  }
0x51: {  	_ =	shalt  }
0x52: {  	_ =	shalt  }
0x53: {  	_ =	shalt  }
0x54: {  	_ =	shalt  }
0x55: {  	_ =	shalt  }
0x56: {  	_ =	shalt  }
0x57: {  	_ =	shalt  }
0x58: {  	_ =	shalt  }
0x59: {  	_ =	shalt  }
0x5a: {  	_ =	shalt  }
0x5b: {  	_ =	shalt  }
0x5c: {  	_ =	shalt  }
0x5d: {  	_ =	shalt  }
0x5e: {  	_ =	shalt  }
0x5f: {  	_ =	shalt  }
0x60: {  	_ =	shalt  }
0x61: {  	_ =	shalt  }
0x62: {  	_ =	shalt  }
0x63: {  	_ =	shalt  }
0x64: {  	_ =	shalt  }
0x65: {  	_ =	shalt  }
0x66: {  	_ =	shalt  }
0x67: {  	_ =	shalt  }
0x68: {  	_ =	shalt  }
0x69: {  	_ =	shalt  }
0x6a: {  	_ =	shalt  }
0x6b: {  	_ =	shalt  }
0x6c: {  	_ =	shalt  }
0x6d: {  	_ =	shalt  }
0x6e: {  	_ =	shalt  }
0x6f: {  	_ =	shalt  }
0x70: {  	_ =	shalt  }
0x71: {  	_ =	shalt  }
0x72: {  	_ =	shalt  }
0x73: {  	_ =	shalt  }
0x74: {  	_ =	shalt  }
0x75: {  	_ =	shalt  }
0x76: {  	_ =	shalt  }
0x77: {  	_ =	shalt  }
0x78: {  	_ =	shalt  }
0x79: {  	_ =	shalt  }
0x7a: {  	_ =	shalt  }
0x7b: {  	_ =	shalt  }
0x7c: {  	_ =	shalt  }
0x7d: {  	_ =	shalt  }
0x7e: {  	_ =	shalt  }
0x7f: {  	_ =	shalt  }
0x80: {  	_ =	shalt  }
0x81: {  	_ =	shalt  }
0x82: {  	_ =	shalt  }
0x83: {  	_ =	shalt  }
0x84: {  	_ =	shalt  }
0x85: {  	_ =	shalt  }
0x86: {  	_ =	shalt  }
0x87: {  	_ =	shalt  }
.Lfunc_end0:
.L_simem_size_0:
called_computation.2_lowered:
.L_overlay_start_0:
0x88: {  	s2 =	sld [smem:$0x3FD9]  }
0x89: {  	s3 =	sld [smem:$0x3FFE];
	_ =	sdelay $0x1  }
0x8a: {  	s1 =	srdreg.scid  }
0x8b: {  	s0 =	sand.u32 $0x1, s1  }
0x8c: {  	s16 =	sshll.u32 s0, $0xA;
	s2 =	sadd.s32 s3, s2  }
0x8d: {  	s2 =	sadd.s32 s2, s16  }
0x8e: {  	[smem:$0x3FBE] =	sst s2  }
0x8f: {  	_ = 	snop  }
0x90: {  	(tm) =	ssettm $0x1  }
0x91: {  	s17 =	sld [smem:$0x3FFB];
	_ =	sdelay $0x3  }
0x92: {  	_ =	strace s17  }
0x93: {  	s2 =	sld [smem:$0x3FFC];
	_ =	sdelay $0x3  }
0x94: {  	_ =	strace s2  }
0x95: {  	s2 =	sld [smem:$0x3FFD];
	_ =	sdelay $0x3  }
0x96: {  	_ =	strace s2  }
0x97: {  	_ =	strace $0x8FFFFFFF  }
0x98: {  	s18 =	sld [smem:$0x3FDB];
	_ =	sdelay $0x1  }
0x99: {  	s19 =	simm.s32 $_scs_section_size  }
0x9a: {  	s4 =	simm.s32 $_size__tile_overlayer_lowered;
	s5 =	simm.s32 $_tile_overlayer_lowered  }
0x9b: {  	s22 =	simm.s32 $0x1BFF;
	s21 =	sshll.u32 s5, $0x1;
	s2 =	sadd.s32 s19, s18  }
0x9c: {  	s6 =	simm.s32 $0x0;
	s20 =	sshll.u32 s4, $0x1;
	s4 =	sadd.s32 s21, s2  }
0x9d: {  	[timem:s6], [sflag:s22] =	dma.local [hbm:s4], s20  }
0x9e: {  	_ =	swait.ge [sflag:s22], s20  }
0x9f: {  	s3 =	ssub.s32 $0x0, s20;
	[sflag:s22] =	ssyncset.done $0x0  }
0xa0: {  	[sflag:s22] =	ssyncadd.s32 s3;
	_ =	sdelay $0x1  }
0xa1: {  	s23 =	simm.s32 $0x1B8B  }
0xa2: {  	_ =	swait.ge [sflag:s23], $0x1  }
0xa3: {  	[sflag:s23] =	ssyncset.done $0x0  }
0xa4: {  	s25 =	simm.s32 $0x1B8E;
	s24 =	sld [smem:$0x3FFE];
	[sflag:s23] =	ssyncadd.s32 $0xFFFFFFFF  }
0xa5: {  	s26 =	simm.s32 $execute0_lowered;
	[smem:$0x3FD2] =	sst s25  }
0xa6: {  	s4 =	sshll.u32 s26, $0x1;
	_ =	strace $0x8000004C;
	[dreg:$0x1] =	wrdreg $0xFFFFFFFF  }
0xa7: {  	s28 =	simm.s32 $_size_execute0_lowered;
	s2 =	sadd.s32 s2, s4;
	[dreg:$0x0] =	wrdreg $0x0  }
0xa8: {  	s4 =	sshll.u32 s28, $0x1;
	[dreg:$0x2] =	wrdreg s2  }
0xa9: {  	[dreg:$0x3] =	wrdreg s4  }
0xaa: {  	[dreg:$0x4] =	wrdreg $0xC0  }
0xab: {  	_ =	task [dreg:s6], $0x5FFFF  }
0xac: {  	[dreg:$0x1] =	wrdreg $0xFFFFFFFF  }
0xad: {  	[dreg:$0x0] =	wrdreg $0x60  }
0xae: {  	[dreg:$0x2] =	wrdreg s24  }
0xaf: {  	[dreg:$0x3] =	wrdreg $0xA1000  }
0xb0: {  	[dreg:$0x4] =	wrdreg $0x9  }
0xb1: {  	_ =	task.clear_ibuf [dreg:s6], $0x5FFFF;
	_ =	strace $0x9000004C  }
0xb2: {  	s29 =	simm.s32 $0x9;
	_ =	strace $0x8000004E  }
0xb3: {  	_ =	swait.ge [sflag:s29], $0x1  }
0xb4: {  	[sflag:s29] =	ssyncadd.s32 $0xFFFFFFFF  }
0xb5: {  	_ =	strace $0x9000004E  }
0xb6: {  	_ =	sfence  }
0xb7: {  	s30 =	sld [smem:$0x0];
	_ =	sdelay $0x2  }
0xb8: {  	s31 =	sshll.u32 s1, $0xD;
	s1 =	sshrl.u32 s1, $0x2  }
0xb9: {  	s3 =	sand.u32 $0x4000, s31;
	s1 =	sadd.s32 s1, s30  }
0xba: {  	s0 =	sor.u32 s3, s0;
	s1 =	sshll.u32 s1, $0x11  }
0xbb: {  	s0 =	sor.u32 s1, s0  }
0xbc: {  	s0 =	sadd.s32 $0x8F2B, s0  }
0xbd: {  	[sflag:s0] =	ssyncadd.remote.s32 $0x1  }
0xbe: {  	_ =	sfence.sel $0xFFFF  }
0xbf: {  	[dreg:$0x0] =	wrdreg $0xFFFFFFFF;
	(pc) =	sbr.abs _section_cstart, $3  }
0xc0: {  	[dreg:$0x1] =	wrdreg $0xFFFFFFFF  }
0xc1: {  	_ =	task.clear_ibuf [dreg:s6], $0x2FFFF;
	_ =	strace $0x9FFFFFFF  }
0xc2: {  	(tm) =	ssettm $0x7FFFFFFF  }
0xc3: {  	_ =	shalt  }
tec
execute0_lowered:
.L_overlay_start_1:
0x0: {  	(tag) =	ssettag $0x1  }
0x1: {  	s6 =	rddreg [dreg:$0x0]  }
0x2: {  	s0 =	srdreg.scid;
	s2 =	rddreg [dreg:$0x1];
	s3 =	simm.s32 $0x0  }
0x3: {  	s14 =	simm.s32 $0x50;
	s15 =	simm.s32 $0x4F00;
	s16 =	simm.s32 $0x5000  }
0x4: {  	s17 =	simm.s32 $0x7800;
	s18 =	simm.s32 $0x7900;
	s19 =	simm.s32 $0x1  }
0x5: {  	s20 =	simm.s32 $0x4F80;
	s21 =	simm.s32 $0x2;
	s22 =	simm.s32 $0x3  }
0x6: {  	s23 =	simm.s32 $0x7880;
	s5 =	sand.u32 $0x1, s0;
	s0 =	stileid.u32  }
0x7: {  	s24 =	simm.s32 $0x4;
	s25 =	simm.s32 $0x0;
	s8 =	smul.u32 $0x13C00, s0  }
0x8: {  	[smem:$0x7FF] =	sst s3;
	s4 =	sadd.s32 $0x15200, s6;
	s9 =	smul.u32 $0x13C000, s5  }
0x9: {  	s1 =	sshll.u32 s5, $0x4;
	s28 =	smul.u32 $0x4F000, s0;
	s5 =	ssub.s32 $0x2, s5  }
0xa: {  	s31 =	sshll.u32 s0, $0x6;
	s1 =	sor.u32 s0, s1;
	s29 =	sshrl.u32 s5, $0x1  }
0xb: {  	s7 =	smul.u32 $0x4E2, s1;
	s1 =	rddreg [dreg:$0x2];
	_ =	strace $0x8000004D  }
0xc: {  	s26 =	sshrl.u32 s8, $0x3;
	s8 =	sadd.s32 s8, s9;
	s30 =	sshrl.u32 s28, $0x2  }
0xd: {  	s12 =	ssub.s32 s5, s29;
	s8 =	sshrl.u32 s8, $0x3;
	s13 =	sadd.s32 s30, s2  }
0xe: {  	s10 =	sadd.s32 s7, s6;
	s7 =	sadd.s32 s26, s6;
	s11 =	sadd.s32 s8, s6  }
0xf: {  	s6 =	sor.u32 $0x1C05, s31;
	s5 =	sadd.s32 $0x3D000, s7;
	s7 =	sadd.s32 $0x1600, s10  }
0x10: {  	s8 =	sadd.s32 $0xB400, s10;
	s9 =	sadd.s32 $0x64800, s11;
	s10 =	smax.u32 s12, $0x1  }
0x11: {  	s11 =	sshrl.u32 s13, $0x3;
	s12 =	simm.s32 $0x5;
	s13 =	simm.s32 $0x2780  }
.LBB2_1:
0x12: {  	[spmem:s11], [sflag:s6] =	dma.local [hbm:s5], $0x2780  }
0x13: {  	_ =	swait.ge [sflag:s12], $0x2780  }
0x14: {  	[sflag:s12] =	ssyncset.done $0x0  }
0x15: {  	[sflag:s12] =	ssyncadd.s32 $0xFFFFD880  }
0x16: {  	[tilespmem:s3], [sflag:$0x5] =	stream.linear.gather [hbm4b:s7+s3], $0x2710, $0x38;
	[tilespmem:$0x1DD00] =	vst v63  }
0x17: {  	_ =	swait.ge [sflag:s12], $0x2710  }
0x18: {  	[sflag:s12] =	ssyncset.done $0x0  }
0x19: {  	[sflag:s12] =	ssyncadd.s32 $0xFFFFD8F0  }
0x1a: {  	[tilespmem:s13], [sflag:$0x5] =	stream.linear.gather [hbm4b:s8+s3], $0x2710, $0x38;
	[tilespmem:$0x1DD00] =	vst v63  }
0x1b: {  	_ =	swait.ge [sflag:s12], $0x2710  }
0x1c: {  	[sflag:s12] =	ssyncset.done $0x0  }
0x1d: {  	[sflag:s12] =	ssyncadd.s32 $0xFFFFD8F0  }
0x1e: {  	[bflag:$0x0] =	sbarrier.arrive $0xFFFF  }
0x1f: {  	v0 =	vld [tilespmem:s14+$0xFFFFFFB0];
	_ =	sdelay $0x4  }
0x20: {  	s26 =	simm.s32 $0x27D0;
	[tilespmem:$0x4F00] =	vst v0  }
0x21: {  	v0 =	vld [tilespmem:s26+$0xFFFFFFB0];
	_ =	sdelay $0x4  }
0x22: {  	[tilespmem:$0x4F80] =	vst v0  }
0x23: {  	v0 =	vld [tilespmem:s14+$0xFFFFFFC0];
	_ =	sdelay $0x4  }
0x24: {  	[tilespmem:$0x4F10] =	vst v0  }
0x25: {  	v0 =	vld [tilespmem:s26+$0xFFFFFFC0];
	_ =	sdelay $0x4  }
0x26: {  	[tilespmem:$0x4F90] =	vst v0  }
0x27: {  	v0 =	vld [tilespmem:s14+$0xFFFFFFD0];
	_ =	sdelay $0x4  }
0x28: {  	[tilespmem:$0x4F20] =	vst v0  }
0x29: {  	v0 =	vld [tilespmem:s26+$0xFFFFFFD0];
	_ =	sdelay $0x4  }
0x2a: {  	[tilespmem:$0x4FA0] =	vst v0  }
0x2b: {  	v0 =	vld [tilespmem:s14+$0xFFFFFFE0];
	_ =	sdelay $0x4  }
0x2c: {  	[tilespmem:$0x4F30] =	vst v0  }
0x2d: {  	v0 =	vld [tilespmem:s26+$0xFFFFFFE0];
	_ =	sdelay $0x4  }
0x2e: {  	[tilespmem:$0x4FB0] =	vst v0  }
0x2f: {  	v0 =	vld [tilespmem:s14+$0xFFFFFFF0];
	_ =	sdelay $0x4  }
0x30: {  	[tilespmem:$0x4F40] =	vst v0  }
0x31: {  	v0 =	vld [tilespmem:s26+$0xFFFFFFF0];
	_ =	sdelay $0x4  }
0x32: {  	[tilespmem:$0x4FC0] =	vst v0  }
0x33: {  	[tilespmem:s16], [sflag:$0x1] =	stream.indirect.gather [hbm4b:s4+s14], $0x80, s15, s14, $0xb8;
	[tilespmem:$0x1DD00] =	vst v63  }
0x34: {  	v0 =	vld [tilespmem:s14+$0x0];
	_ =	sdelay $0x4  }
0x35: {  	[tilespmem:$0x7800] =	vst v0  }
0x36: {  	v0 =	vld [tilespmem:s26+$0x0];
	_ =	sdelay $0x4  }
0x37: {  	[tilespmem:$0x7880] =	vst v0  }
0x38: {  	v0 =	vld [tilespmem:s14+$0x10];
	_ =	sdelay $0x4  }
0x39: {  	[tilespmem:$0x7810] =	vst v0  }
0x3a: {  	v0 =	vld [tilespmem:s26+$0x10];
	_ =	sdelay $0x4  }
0x3b: {  	[tilespmem:$0x7890] =	vst v0  }
0x3c: {  	v0 =	vld [tilespmem:s14+$0x20];
	_ =	sdelay $0x4  }
0x3d: {  	[tilespmem:$0x7820] =	vst v0  }
0x3e: {  	v0 =	vld [tilespmem:s26+$0x20];
	_ =	sdelay $0x4  }
0x3f: {  	s28 =	sand.u32 $0x3FE0, s3;
	[tilespmem:$0x78A0] =	vst v0  }
0x40: {  	v0 =	vld [tilespmem:s28+$0x80];
	_ =	sdelay $0x4  }
0x41: {  	[tilespmem:$0x7830] =	vst v0  }
0x42: {  	v0 =	vld [tilespmem:s28+$0x2800];
	_ =	sdelay $0x4  }
0x43: {  	[tilespmem:$0x78B0] =	vst v0  }
0x44: {  	v0 =	vld [tilespmem:s14+$0x40];
	_ =	sdelay $0x4  }
0x45: {  	[tilespmem:$0x7840] =	vst v0  }
0x46: {  	v0 =	vld [tilespmem:s26+$0x40];
	_ =	sdelay $0x4  }
0x47: {  	[tilespmem:$0x78C0] =	vst v0  }
0x48: {  	[tilespmem:s18], [sflag:$0x3] =	stream.indirect.gather [hbm4b:s4+s14], $0x80, s17, s14, $0xb8;
	[tilespmem:$0x1DD00] =	vst v63  }
0x49: {  	_ =	swait.ge [sflag:s19], $0x2800  }
0x4a: {  	[sflag:s19] =	ssyncset.done $0x0  }
0x4b: {  	[sflag:s19] =	ssyncadd.s32 $0xFFFFD800  }
0x4c: {  	[spmem:s2] =	stream.indirect.scatter.add.f32 [tilespmem:s16], [sflag:$0x2], $0x80, s20, s14, $0xb8;
	[tilespmem:$0x1DD00] =	vst v63  }
0x4d: {  	_ =	swait.ge [sflag:s21], $0x2800  }
0x4e: {  	[sflag:s21] =	ssyncset.done $0x0  }
0x4f: {  	[sflag:s21] =	ssyncadd.s32 $0xFFFFD800  }
0x50: {  	_ =	swait.ge [sflag:s22], $0x2800  }
0x51: {  	[sflag:s22] =	ssyncset.done $0x0  }
0x52: {  	[sflag:s22] =	ssyncadd.s32 $0xFFFFD800  }
0x53: {  	[spmem:s2] =	stream.indirect.scatter.add.f32 [tilespmem:s18], [sflag:$0x4], $0x80, s23, s14, $0xb8;
	[tilespmem:$0x1DD00] =	vst v63  }
0x54: {  	_ =	swait.ge [sflag:s24], $0x2800  }
0x55: {  	s29 =	simm.s32 $0x50;
	s28 =	simm.s32 $0xA0;
	[sflag:s24] =	ssyncset.done $0x0  }
.LBB2_2:
0x56: {  	[sflag:s24] =	ssyncadd.s32 $0xFFFFD800;
	s29 =	sadd.s32 $0xA0, s29;
	s26 =	sadd.s32 $0xA0, s26  }
0x57: {  	p0 =	sne.s32 s28, $0x2620;
	s30 =	smov.u32 s28;
	s28 =	sadd.s32 $0xA0, s28;
	v0 =	vld [tilespmem:s29+$0xFFFFFFB0]  }
0x58: {  	_ =	sdelay $0x3  }
0x59: {  	[tilespmem:$0x4F00] =	vst v0  }
0x5a: {  	v0 =	vld [tilespmem:s26+$0xFFFFFFB0];
	_ =	sdelay $0x4  }
0x5b: {  	[tilespmem:$0x4F80] =	vst v0  }
0x5c: {  	v0 =	vld [tilespmem:s29+$0xFFFFFFC0];
	_ =	sdelay $0x4  }
0x5d: {  	[tilespmem:$0x4F10] =	vst v0  }
0x5e: {  	v0 =	vld [tilespmem:s26+$0xFFFFFFC0];
	_ =	sdelay $0x4  }
0x5f: {  	[tilespmem:$0x4F90] =	vst v0  }
0x60: {  	v0 =	vld [tilespmem:s29+$0xFFFFFFD0];
	_ =	sdelay $0x4  }
0x61: {  	[tilespmem:$0x4F20] =	vst v0  }
0x62: {  	v0 =	vld [tilespmem:s26+$0xFFFFFFD0];
	_ =	sdelay $0x4  }
0x63: {  	[tilespmem:$0x4FA0] =	vst v0  }
0x64: {  	v0 =	vld [tilespmem:s29+$0xFFFFFFE0];
	_ =	sdelay $0x4  }
0x65: {  	[tilespmem:$0x4F30] =	vst v0  }
0x66: {  	v0 =	vld [tilespmem:s26+$0xFFFFFFE0];
	_ =	sdelay $0x4  }
0x67: {  	[tilespmem:$0x4FB0] =	vst v0  }
0x68: {  	v0 =	vld [tilespmem:s29+$0xFFFFFFF0];
	_ =	sdelay $0x4  }
0x69: {  	[tilespmem:$0x4F40] =	vst v0  }
0x6a: {  	v0 =	vld [tilespmem:s26+$0xFFFFFFF0];
	_ =	sdelay $0x4  }
0x6b: {  	[tilespmem:$0x4FC0] =	vst v0  }
0x6c: {  	[tilespmem:s16], [sflag:$0x1] =	stream.indirect.gather [hbm4b:s4+s14], $0x80, s15, s14, $0xb8;
	[tilespmem:$0x1DD00] =	vst v63  }
0x6d: {  	v0 =	vld [tilespmem:s29+$0x0];
	_ =	sdelay $0x4  }
0x6e: {  	[tilespmem:$0x7800] =	vst v0  }
0x6f: {  	v0 =	vld [tilespmem:s26+$0x0];
	_ =	sdelay $0x4  }
0x70: {  	[tilespmem:$0x7880] =	vst v0  }
0x71: {  	v0 =	vld [tilespmem:s29+$0x10];
	_ =	sdelay $0x4  }
0x72: {  	[tilespmem:$0x7810] =	vst v0  }
0x73: {  	v0 =	vld [tilespmem:s26+$0x10];
	_ =	sdelay $0x4  }
0x74: {  	[tilespmem:$0x7890] =	vst v0  }
0x75: {  	v0 =	vld [tilespmem:s29+$0x20];
	_ =	sdelay $0x4  }
0x76: {  	[tilespmem:$0x7820] =	vst v0  }
0x77: {  	v0 =	vld [tilespmem:s26+$0x20];
	_ =	sdelay $0x4  }
0x78: {  	s30 =	sand.u32 $0x3FE0, s30;
	[tilespmem:$0x78A0] =	vst v0  }
0x79: {  	v0 =	vld [tilespmem:s30+$0x80];
	_ =	sdelay $0x4  }
0x7a: {  	[tilespmem:$0x7830] =	vst v0  }
0x7b: {  	v0 =	vld [tilespmem:s30+$0x2800];
	_ =	sdelay $0x4  }
0x7c: {  	[tilespmem:$0x78B0] =	vst v0  }
0x7d: {  	v0 =	vld [tilespmem:s29+$0x40];
	_ =	sdelay $0x4  }
0x7e: {  	[tilespmem:$0x7840] =	vst v0  }
0x7f: {  	v0 =	vld [tilespmem:s26+$0x40];
	_ =	sdelay $0x4  }
0x80: {  	[tilespmem:$0x78C0] =	vst v0  }
0x81: {  	[tilespmem:s18], [sflag:$0x3] =	stream.indirect.gather [hbm4b:s4+s14], $0x80, s17, s14, $0xb8;
	[tilespmem:$0x1DD00] =	vst v63  }
0x82: {  	_ =	swait.ge [sflag:s19], $0x2800  }
0x83: {  	[sflag:s19] =	ssyncset.done $0x0  }
0x84: {  	[sflag:s19] =	ssyncadd.s32 $0xFFFFD800  }
0x85: {  	[spmem:s2] =	stream.indirect.scatter.add.f32 [tilespmem:s16], [sflag:$0x2], $0x80, s20, s14, $0xb8;
	[tilespmem:$0x1DD00] =	vst v63  }
0x86: {  	_ =	swait.ge [sflag:s21], $0x2800  }
0x87: {  	[sflag:s21] =	ssyncset.done $0x0  }
0x88: {  	[sflag:s21] =	ssyncadd.s32 $0xFFFFD800  }
0x89: {  	_ =	swait.ge [sflag:s22], $0x2800  }
.Ltmp0:
0x8a: {  	[sflag:s22] =	ssyncset.done $0x0;
	(pc) =	sbr.rel @p0 .LBB2_2-.Ltmp0, $4  }
0x8b: {  	[sflag:s22] =	ssyncadd.s32 $0xFFFFD800  }
0x8c: {  	[spmem:s2] =	stream.indirect.scatter.add.f32 [tilespmem:s18], [sflag:$0x4], $0x80, s23, s14, $0xb8;
	[tilespmem:$0x1DD00] =	vst v63  }
0x8d: {  	_ =	swait.ge [sflag:s24], $0x2800  }
0x8e: {  	[sflag:s24] =	ssyncset.done $0x0  }
0x8f: {  	[sflag:s24] =	ssyncadd.s32 $0xFFFFD800  }
0x90: {  	v0 =	vld [tilespmem:$0x26C0]  }
0x91: {  	v1 =	vld [tilespmem:$0x4E40]  }
0x92: {  	v2 =	vld [tilespmem:$0x26D0]  }
0x93: {  	v3 =	vld [tilespmem:$0x4E50]  }
0x94: {  	v4 =	vld [tilespmem:$0x26E0]  }
0x95: {  	v59 =	vld [tilespmem:$0x4E60];
	[tilespmem:$0x4F00] =	vst v0  }
0x96: {  	v60 =	vld [tilespmem:$0x26F0];
	[tilespmem:$0x4F80] =	vst v1  }
0x97: {  	v61 =	vld [tilespmem:$0x4E70];
	[tilespmem:$0x4F10] =	vst v2  }
0x98: {  	v62 =	vld [tilespmem:$0x2700];
	[tilespmem:$0x4F90] =	vst v3  }
0x99: {  	v63 =	vld [tilespmem:$0x4E80];
	[tilespmem:$0x4F20] =	vst v4  }
0x9a: {  	[tilespmem:$0x4FA0] =	vst v59  }
0x9b: {  	[tilespmem:$0x4F30] =	vst v60  }
0x9c: {  	[tilespmem:$0x4FB0] =	vst v61  }
0x9d: {  	[tilespmem:$0x4F40] =	vst v62  }
0x9e: {  	[tilespmem:$0x4FC0] =	vst v63  }
0x9f: {  	[tilespmem:s16], [sflag:$0x1] =	stream.indirect.gather [hbm4b:s4+s14], $0x80, s15, s14, $0xb8;
	[tilespmem:$0x1DD00] =	vst v63  }
0xa0: {  	_ =	swait.ge [sflag:s19], $0x2800  }
0xa1: {  	[sflag:s19] =	ssyncset.done $0x0  }
0xa2: {  	[sflag:s19] =	ssyncadd.s32 $0xFFFFD800  }
0xa3: {  	[spmem:s2] =	stream.indirect.scatter.add.f32 [tilespmem:s16], [sflag:$0x2], $0x80, s20, s14, $0xb8;
	[tilespmem:$0x1DD00] =	vst v63  }
0xa4: {  	_ =	swait.ge [sflag:s21], $0x2800  }
0xa5: {  	s25 =	sadd.s32 $0x1, s25;
	[sflag:s21] =	ssyncset.done $0x0  }
0xa6: {  	p0 =	sne.s32 s25, s10;
	[sflag:s21] =	ssyncadd.s32 $0xFFFFD800  }
.Ltmp1:
0xa7: {  	[bflag:$0x0] =	sbarrier.arrive $0xFFFF;
	(pc) =	sbr.rel @p0 .LBB2_1-.Ltmp1, $4  }
0xa8: {  	[hbm:s9], [sflag:s6] =	dma.local [spmem:s11], $0x2780  }
0xa9: {  	_ =	swait.ge [sflag:s12], $0x2780  }
0xaa: {  	[sflag:s12] =	ssyncset.done $0x0  }
0xab: {  	[sflag:s12] =	ssyncadd.s32 $0xFFFFD880  }
0xac: {  	_ =	sfence.sel $0x180000  }
0xad: {  	[bflag:$0x0] =	sbarrier.arrive $0xFFFF  }
0xae: {  	p0 =	sne.s32 s0, $0x0;
	_ =	strace $0x9000004D  }
0xaf: {  	s0 =	sadd.s32 @!p0 $0x100000, s1;
	[bflag:$0x2] =	sbarrier.arrive $0xFFFF  }
0xb0: {  	[sflag:s0] =	ssyncadd.tile.s32 @!p0 $0x1;
	_ =	shalt  }
.Lfunc_end2:
_tile_overlayer_lowered:
.L_overlay_start_2:
0xb1: {  	(tag) =	ssettag $0x2  }
0xb2: {  	s0 =	rddreg [dreg:$0x0];
	s2 =	stileid.u32  }
0xb3: {  	s1 =	rddreg [dreg:$0x1];
	p0 =	sne.s32 s2, $0x0  }
0xb4: {  	s3 =	rddreg [dreg:$0x2];
	[bflag:$0x3] =	sbarrier.arrive $0xFFFF;
	s2 =	simm.s32 @!p0 $0x1C05  }
0xb5: {  	[timem:s3], [sflag:s2] =	dma.local @!p0 [hbm:s0], s1  }
0xb6: {  	s0 =	simm.s32 @!p0 $0x5  }
0xb7: {  	_ =	swait.ge @!p0 [sflag:s0], s1  }
0xb8: {  	s1 =	ssub.s32 @!p0 $0x0, s1;
	[sflag:s0] =	ssyncset.done @!p0 $0x0  }
0xb9: {  	[sflag:s0] =	ssyncadd.s32 @!p0 s1  }
0xba: {  	[bflag:$0x3] =	sbarrier.arrive $0xFFFF  }
0xbb: {  	_ =	shalt  }

// kernel: kernel.8.cloned.1.call-start
scs
__scs_entry_jumppad:
0x0: {  	(pc) =	sbr.rel $0x88, $3  }
0x1: {  	(tag) =	ssettag $0x0;
	lr =	simm.s32 $0x1  }
0x2: {  	[smem:$0x3F97] =	sst lr;
	_ =	strace $0xD0000000  }
0x3: {  	_ = 	snop  }
0x4: {  	_ = 	snop  }
0x5: {  	_ = 	snop  }
0x6: {  	_ = 	snop  }
0x7: {  	_ = 	snop  }
__scs_overlays_trampoline_lowered:
0x8: {  	[smem:$0x3FA6] =	sst s0  }
0x9: {  	[smem:$0x3FA7] =	sst s1  }
0xa: {  	[smem:$0x3FA8] =	sst s2  }
0xb: {  	[smem:$0x3FA9] =	sst s3  }
0xc: {  	[smem:$0x3FAA] =	sst s4  }
0xd: {  	[smem:$0x3FAB] =	sst s5  }
0xe: {  	[smem:$0x3FAC] =	sst s6  }
0xf: {  	[smem:$0x3FAD] =	sst s7  }
0x10: {  	[smem:$0x3FAE] =	sst s8  }
0x11: {  	[smem:$0x3FAF] =	sst s9;
	s0 =	simm.s32 @!p0 $0x0  }
0x12: {  	s1 =	sld [smem:$0x3F95];
	s0 =	simm.s32 @p0 $0x1  }
0x13: {  	[smem:$0x3FB0] =	sst s0;
	s0 =	simm.s32 @!p1 $0x0  }
0x14: {  	s2 =	sld [smem:$0x3F94];
	s0 =	simm.s32 @p1 $0x1  }
0x15: {  	[smem:$0x3FB1] =	sst s0;
	s0 =	simm.s32 @!p2 $0x0  }
0x16: {  	s3 =	sld [smem:$0x3FDB];
	s0 =	simm.s32 @p2 $0x1  }
0x17: {  	s4 =	simm.s32 $0x1BF5;
	[smem:$0x3FB3] =	sst s0  }
0x18: {  	s0 =	sld [smem:$0x3F96];
	_ =	swait.ge [sflag:s4], $0x0  }
0x19: {  	s7 =	sld [smem:$0x3F97]  }
0x1a: {  	s8 =	sadd.s32 $0xFFFFE003, lr  }
0x1b: {  	s9 =	sadd.s32 $0xFFFFFEF7, lr;
	s5 =	simm.s32 $0xFFFFFFFF;
	p2 =	slt.u32 s8, $0xFFFFF086  }
0x1c: {  	p1 =	slt.u32 s9, $0xF7A;
	s5 =	simm.s32 @!p2 $0x0  }
0x1d: {  	s5 =	simm.s32 @p1 $0x1;
	p0 =	seq.s32 s7, s2  }
0x1e: {  	s7 =	smul.u32 @!p0 $0xF7A, s2;
	p2 =	seq.s32 @!p0 s5, $0x0  }
0x1f: {  	s9 =	smul.u32 $0xF7A, s1;
	s8 =	simm.s32 @!p0 $0x1BF5;
	p2 =	por !p2, p0  }
0x20: {  	[sflag:s8] =	ssyncset.s32 @!p0 $0xFFFFF086;
	s6 =	sadd.s32 @!p0 s3, s7;
	s7 =	simm.s32 @!p0 $0x108  }
0x21: {  	s3 =	sadd.s32 s3, s9;
	s6 =	sadd.s32 @!p0 $0x88, s6;
	s7 =	simm.s32 @p2 $0x1082  }
0x22: {  	[simem:s7], [sflag:s8] =	dma.local @!p0 [hbm:s6], $0xF7A  }
0x23: {  	s9 =	sor.u32 $0xD0000000, s2;
	s6 =	simm.s32 $0x108;
	_ =	swait.ge @!p0 [sflag:s8], $0x0  }
0x24: {  	s3 =	sadd.s32 $0x88, s3;
	s6 =	simm.s32 @!p1 $0x1082;
	[sflag:s4] =	ssyncset.s32 $0xFFFFF086  }
0x25: {  	[simem:s6], [sflag:s4] =	dma.local [hbm:s3], $0xF7A  }
0x26: {  	[smem:$0x3F97] =	sst s1;
	(tag) =	ssettag s2;
	_ =	strace s9  }
0x27: {  	s1 =	sld [smem:$0x3FA7]  }
0x28: {  	s2 =	sld [smem:$0x3FA8]  }
0x29: {  	s4 =	sld [smem:$0x3FAA]  }
0x2a: {  	p0 =	seq.s32 s5, $0x0;
	s5 =	sld [smem:$0x3FAB]  }
0x2b: {  	s6 =	sld [smem:$0x3FAC]  }
0x2c: {  	s7 =	sld [smem:$0x3FAD]  }
0x2d: {  	s3 =	simm.s32 $0x108;
	s8 =	sld [smem:$0x3FAE]  }
0x2e: {  	s3 =	simm.s32 @!p0 $0x1082;
	s9 =	sld [smem:$0x3FAF]  }
0x2f: {  	lr =	sadd.s32 s0, s3;
	s0 =	sld [smem:$0x3FA6]  }
0x30: {  	s3 =	sld [smem:$0x3FA9]  }
0x31: {  	[smem:$0x3FB2] =	sst s10  }
0x32: {  	s10 =	sld [smem:$0x3FB0];
	_ =	sdelay $0x3  }
0x33: {  	p0 =	seq.s32 s10, $0x1;
	s10 =	sld [smem:$0x3FB2];
	_ =	sdelay $0x3  }
0x34: {  	[smem:$0x3FB2] =	sst s10  }
0x35: {  	s10 =	sld [smem:$0x3FB1];
	_ =	sdelay $0x3  }
0x36: {  	p1 =	seq.s32 s10, $0x1;
	s10 =	sld [smem:$0x3FB2];
	_ =	sdelay $0x3  }
0x37: {  	[smem:$0x3FB2] =	sst s10  }
0x38: {  	s10 =	sld [smem:$0x3FB3]  }
0x39: {  	_ = 	snop;
	(pc) =	sbr.ind lr, $3  }
0x3a: {  	_ = 	snop  }
0x3b: {  	_ = 	snop  }
0x3c: {  	p2 =	seq.s32 s10, $0x1;
	s10 =	sld [smem:$0x3FB2]  }
0x3d: {  	_ =	shalt  }
0x3e: {  	_ =	shalt  }
0x3f: {  	_ =	shalt  }
0x40: {  	_ =	shalt  }
0x41: {  	_ =	shalt  }
0x42: {  	_ =	shalt  }
0x43: {  	_ =	shalt  }
0x44: {  	_ =	shalt  }
0x45: {  	_ =	shalt  }
0x46: {  	_ =	shalt  }
0x47: {  	_ =	shalt  }
0x48: {  	_ =	shalt  }
0x49: {  	_ =	shalt  }
0x4a: {  	_ =	shalt  }
0x4b: {  	_ =	shalt  }
0x4c: {  	_ =	shalt  }
0x4d: {  	_ =	shalt  }
0x4e: {  	_ =	shalt  }
0x4f: {  	_ =	shalt  }
0x50: {  	_ =	shalt  }
0x51: {  	_ =	shalt  }
0x52: {  	_ =	shalt  }
0x53: {  	_ =	shalt  }
0x54: {  	_ =	shalt  }
0x55: {  	_ =	shalt  }
0x56: {  	_ =	shalt  }
0x57: {  	_ =	shalt  }
0x58: {  	_ =	shalt  }
0x59: {  	_ =	shalt  }
0x5a: {  	_ =	shalt  }
0x5b: {  	_ =	shalt  }
0x5c: {  	_ =	shalt  }
0x5d: {  	_ =	shalt  }
0x5e: {  	_ =	shalt  }
0x5f: {  	_ =	shalt  }
0x60: {  	_ =	shalt  }
0x61: {  	_ =	shalt  }
0x62: {  	_ =	shalt  }
0x63: {  	_ =	shalt  }
0x64: {  	_ =	shalt  }
0x65: {  	_ =	shalt  }
0x66: {  	_ =	shalt  }
0x67: {  	_ =	shalt  }
0x68: {  	_ =	shalt  }
0x69: {  	_ =	shalt  }
0x6a: {  	_ =	shalt  }
0x6b: {  	_ =	shalt  }
0x6c: {  	_ =	shalt  }
0x6d: {  	_ =	shalt  }
0x6e: {  	_ =	shalt  }
0x6f: {  	_ =	shalt  }
0x70: {  	_ =	shalt  }
0x71: {  	_ =	shalt  }
0x72: {  	_ =	shalt  }
0x73: {  	_ =	shalt  }
0x74: {  	_ =	shalt  }
0x75: {  	_ =	shalt  }
0x76: {  	_ =	shalt  }
0x77: {  	_ =	shalt  }
0x78: {  	_ =	shalt  }
0x79: {  	_ =	shalt  }
0x7a: {  	_ =	shalt  }
0x7b: {  	_ =	shalt  }
0x7c: {  	_ =	shalt  }
0x7d: {  	_ =	shalt  }
0x7e: {  	_ =	shalt  }
0x7f: {  	_ =	shalt  }
0x80: {  	_ =	shalt  }
0x81: {  	_ =	shalt  }
0x82: {  	_ =	shalt  }
0x83: {  	_ =	shalt  }
0x84: {  	_ =	shalt  }
0x85: {  	_ =	shalt  }
0x86: {  	_ =	shalt  }
0x87: {  	_ =	shalt  }
.Lfunc_end0:
.L_simem_size_0:
called_computation_lowered:
.L_overlay_start_0:
0x88: {  	s2 =	sld [smem:$0x3FD9]  }
0x89: {  	s3 =	sld [smem:$0x3FFE];
	_ =	sdelay $0x1  }
0x8a: {  	s1 =	srdreg.scid  }
0x8b: {  	s0 =	sand.u32 $0x1, s1  }
0x8c: {  	s16 =	sshll.u32 s0, $0xA;
	s2 =	sadd.s32 s3, s2  }
0x8d: {  	s2 =	sadd.s32 s2, s16  }
0x8e: {  	[smem:$0x3FBE] =	sst s2  }
0x8f: {  	_ = 	snop  }
0x90: {  	(tm) =	ssettm $0x1  }
0x91: {  	s17 =	sld [smem:$0x3FFB];
	_ =	sdelay $0x3  }
0x92: {  	_ =	strace s17  }
0x93: {  	s2 =	sld [smem:$0x3FFC];
	_ =	sdelay $0x3  }
0x94: {  	_ =	strace s2  }
0x95: {  	s2 =	sld [smem:$0x3FFD];
	_ =	sdelay $0x3  }
0x96: {  	_ =	strace s2  }
0x97: {  	_ =	strace $0x8FFFFFFF  }
0x98: {  	s18 =	sld [smem:$0x3FDB];
	_ =	sdelay $0x1  }
0x99: {  	s19 =	simm.s32 $_scs_section_size  }
0x9a: {  	s4 =	simm.s32 $_size__tile_overlayer_lowered;
	s5 =	simm.s32 $_tile_overlayer_lowered  }
0x9b: {  	s22 =	simm.s32 $0x1BFF;
	s21 =	sshll.u32 s5, $0x1;
	s2 =	sadd.s32 s19, s18  }
0x9c: {  	s6 =	simm.s32 $0x0;
	s20 =	sshll.u32 s4, $0x1;
	s4 =	sadd.s32 s21, s2  }
0x9d: {  	[timem:s6], [sflag:s22] =	dma.local [hbm:s4], s20  }
0x9e: {  	_ =	swait.ge [sflag:s22], s20  }
0x9f: {  	s3 =	ssub.s32 $0x0, s20;
	[sflag:s22] =	ssyncset.done $0x0  }
0xa0: {  	[sflag:s22] =	ssyncadd.s32 s3;
	_ =	sdelay $0x1  }
0xa1: {  	s23 =	simm.s32 $0x1B8B  }
0xa2: {  	_ =	swait.ge [sflag:s23], $0x1  }
0xa3: {  	[sflag:s23] =	ssyncset.done $0x0  }
0xa4: {  	s25 =	simm.s32 $0x1B8E;
	s24 =	sld [smem:$0x3FFE];
	[sflag:s23] =	ssyncadd.s32 $0xFFFFFFFF  }
0xa5: {  	s26 =	simm.s32 $execute0_lowered;
	[smem:$0x3FD2] =	sst s25  }
0xa6: {  	s4 =	sshll.u32 s26, $0x1;
	_ =	strace $0x80000046;
	[dreg:$0x1] =	wrdreg $0xFFFFFFFF  }
0xa7: {  	s28 =	simm.s32 $_size_execute0_lowered;
	s2 =	sadd.s32 s2, s4;
	[dreg:$0x0] =	wrdreg $0x0  }
0xa8: {  	s4 =	sshll.u32 s28, $0x1;
	[dreg:$0x2] =	wrdreg s2  }
0xa9: {  	[dreg:$0x3] =	wrdreg s4  }
0xaa: {  	[dreg:$0x4] =	wrdreg $0xC0  }
0xab: {  	_ =	task [dreg:s6], $0x5FFFF  }
0xac: {  	[dreg:$0x1] =	wrdreg $0xFFFFFFFF  }
0xad: {  	[dreg:$0x0] =	wrdreg $0x60  }
0xae: {  	[dreg:$0x2] =	wrdreg s24  }
0xaf: {  	[dreg:$0x3] =	wrdreg $0x28800  }
0xb0: {  	[dreg:$0x4] =	wrdreg $0x9  }
0xb1: {  	_ =	task.clear_ibuf [dreg:s6], $0x5FFFF;
	_ =	strace $0x90000046  }
0xb2: {  	s29 =	simm.s32 $0x9;
	_ =	strace $0x80000048  }
0xb3: {  	_ =	swait.ge [sflag:s29], $0x1  }
0xb4: {  	[sflag:s29] =	ssyncadd.s32 $0xFFFFFFFF  }
0xb5: {  	_ =	strace $0x90000048  }
0xb6: {  	_ =	sfence  }
0xb7: {  	s30 =	sld [smem:$0x0];
	_ =	sdelay $0x2  }
0xb8: {  	s31 =	sshll.u32 s1, $0xD;
	s1 =	sshrl.u32 s1, $0x2  }
0xb9: {  	s3 =	sand.u32 $0x4000, s31;
	s1 =	sadd.s32 s1, s30  }
0xba: {  	s0 =	sor.u32 s3, s0;
	s1 =	sshll.u32 s1, $0x11  }
0xbb: {  	s0 =	sor.u32 s1, s0  }
0xbc: {  	s0 =	sadd.s32 $0x8F2B, s0  }
0xbd: {  	[sflag:s0] =	ssyncadd.remote.s32 $0x1  }
0xbe: {  	_ =	sfence.sel $0xFFFF  }
0xbf: {  	[dreg:$0x0] =	wrdreg $0xFFFFFFFF;
	(pc) =	sbr.abs _section_cstart, $3  }
0xc0: {  	[dreg:$0x1] =	wrdreg $0xFFFFFFFF  }
0xc1: {  	_ =	task.clear_ibuf [dreg:s6], $0x2FFFF;
	_ =	strace $0x9FFFFFFF  }
0xc2: {  	(tm) =	ssettm $0x7FFFFFFF  }
0xc3: {  	_ =	shalt  }
tec
execute0_lowered:
.L_overlay_start_1:
0x0: {  	(tag) =	ssettag $0x1  }
0x1: {  	s0 =	srdreg.scid;
	s4 =	rddreg [dreg:$0x0]  }
0x2: {  	s1 =	rddreg [dreg:$0x1];
	s7 =	stileid.u32;
	s2 =	simm.s32 $0x0  }
0x3: {  	s10 =	simm.s32 $0x2780;
	s11 =	simm.s32 $0x2800;
	s3 =	sand.u32 $0x1, s0  }
0x4: {  	s12 =	simm.s32 $0x0;
	s0 =	rddreg [dreg:$0x2];
	s5 =	sshll.u32 s3, $0x4  }
0x5: {  	[smem:$0x7FF] =	sst s2;
	s6 =	smul.u32 $0x4F0, s3;
	s5 =	sor.u32 s7, s5  }
0x6: {  	p0 =	sne.s32 s7, $0x0;
	s8 =	ssub.s32 $0x2, s3;
	s5 =	smul.u32 $0x4E2, s5  }
0x7: {  	_ =	strace $0x80000047;
	s3 =	sadd.s32 $0x15200, s4;
	s9 =	sshrl.u32 s8, $0x1  }
0x8: {  	s7 =	sshrl.u32 @!p0 s1, $0x3;
	s6 =	sadd.s32 s6, s4;
	s5 =	sadd.s32 s5, s4  }
0x9: {  	s8 =	ssub.s32 s8, s9;
	s9 =	simm.s32 $0x50;
	s4 =	sadd.s32 $0xB400, s5  }
0xa: {  	v0 =	vimm.f32 $1.000000000e+00;
	s5 =	sadd.s32 $0x15800, s6;
	s6 =	smax.u32 s8, $0x1;
	s8 =	simm.s32 $0x1  }
.LBB2_1:
0xb: {  	s13 =	simm.s32 @!p0 $0x1C01  }
0xc: {  	[spmem:s7], [sflag:s13] =	dma.local @!p0 [hbm:s3], $0x4F0  }
0xd: {  	s13 =	simm.s32 @!p0 $0x1  }
0xe: {  	_ =	swait.ge @!p0 [sflag:s13], $0x4F0  }
0xf: {  	[sflag:s13] =	ssyncset.done @!p0 $0x0  }
0x10: {  	[sflag:s13] =	ssyncadd.s32 @!p0 $0xFFFFFB10  }
0x11: {  	[tilespmem:s2], [sflag:$0x1] =	stream.linear.gather [hbm4b:s4+s2], $0x2710, $0x38;
	[tilespmem:$0x2AF8] =	vst v63  }
0x12: {  	_ =	swait.ge [sflag:s8], $0x2710  }
0x13: {  	[sflag:s8] =	ssyncset.done $0x0  }
0x14: {  	[sflag:s8] =	ssyncadd.s32 $0xFFFFD8F0  }
0x15: {  	[tilespmem:$0x2800] =	vst v0  }
0x16: {  	[tilespmem:$0x2810] =	vst v0  }
0x17: {  	[tilespmem:$0x2820] =	vst v0  }
0x18: {  	[tilespmem:$0x2830] =	vst v0  }
0x19: {  	[tilespmem:$0x2840] =	vst v0  }
0x1a: {  	s31 =	simm.s32 $0x0;
	[bflag:$0x0] =	sbarrier.arrive $0xFFFF  }
0x1b: {  	v1 =	vld [tilespmem:s31+$0x0];
	_ =	sdelay $0x4  }
0x1c: {  	[tilespmem:$0x2780] =	vst v1  }
0x1d: {  	v1 =	vld [tilespmem:s31+$0x10];
	_ =	sdelay $0x4  }
0x1e: {  	[tilespmem:$0x2790] =	vst v1  }
0x1f: {  	v1 =	vld [tilespmem:s31+$0x20];
	_ =	sdelay $0x4  }
0x20: {  	[tilespmem:$0x27A0] =	vst v1  }
0x21: {  	v1 =	vld [tilespmem:s31+$0x30];
	_ =	sdelay $0x4  }
0x22: {  	[tilespmem:$0x27B0] =	vst v1  }
0x23: {  	v1 =	vld [tilespmem:s31+$0x40];
	_ =	sdelay $0x4  }
0x24: {  	[tilespmem:$0x27C0] =	vst v1  }
0x25: {  	[spmem:s1] =	stream.indirect.scatter.add.f32 [tilespmem:s11], [sflag:$0x1], $0x1, s10, s9, $0xb8;
	[tilespmem:$0x2AF8] =	vst v63  }
0x26: {  	_ =	swait.ge [sflag:s8], $0x50  }
0x27: {  	s14 =	simm.s32 $0x280;
	s13 =	simm.s32 $0x140;
	[sflag:s8] =	ssyncset.done $0x0  }
.LBB2_2:
0x28: {  	s15 =	sshra.s32 s13, $0x2  }
0x29: {  	[sflag:s8] =	ssyncadd.s32 $0xFFFFFFB0;
	s13 =	smov.u32 s14;
	s16 =	sadd.s32 $0x140, s14  }
0x2a: {  	p1 =	sne.s32 s14, $0x9B00;
	v1 =	vld [tilespmem:s15+$0x0];
	_ =	sdelay $0x4  }
0x2b: {  	[tilespmem:$0x2780] =	vst v1  }
0x2c: {  	v1 =	vld [tilespmem:s15+$0x10];
	_ =	sdelay $0x4  }
0x2d: {  	[tilespmem:$0x2790] =	vst v1  }
0x2e: {  	v1 =	vld [tilespmem:s15+$0x20];
	_ =	sdelay $0x4  }
0x2f: {  	[tilespmem:$0x27A0] =	vst v1  }
0x30: {  	v1 =	vld [tilespmem:s15+$0x30];
	_ =	sdelay $0x4  }
0x31: {  	[tilespmem:$0x27B0] =	vst v1  }
0x32: {  	v1 =	vld [tilespmem:s15+$0x40];
	_ =	sdelay $0x3  }
.Ltmp0:
0x33: {  	(pc) =	sbr.rel @p1 .LBB2_2-.Ltmp0, $4  }
0x34: {  	[tilespmem:$0x27C0] =	vst v1  }
0x35: {  	[spmem:s1] =	stream.indirect.scatter.add.f32 [tilespmem:s11], [sflag:$0x1], $0x1, s10, s9, $0xb8;
	[tilespmem:$0x2AF8] =	vst v63  }
0x36: {  	_ =	swait.ge [sflag:s8], $0x50  }
0x37: {  	s14 =	smov.u32 s16;
	[sflag:s8] =	ssyncset.done $0x0  }
0x38: {  	s13 =	sshra.s32 s13, $0x2;
	[sflag:s8] =	ssyncadd.s32 $0xFFFFFFB0  }
0x39: {  	v1 =	vld [tilespmem:s13+$0x0];
	_ =	sdelay $0x4  }
0x3a: {  	[tilespmem:$0x2780] =	vst v1  }
0x3b: {  	v1 =	vld [tilespmem:s13+$0x10];
	_ =	sdelay $0x4  }
0x3c: {  	[tilespmem:$0x2790] =	vst v1  }
0x3d: {  	v1 =	vld [tilespmem:s13+$0x20];
	_ =	sdelay $0x4  }
0x3e: {  	[tilespmem:$0x27A0] =	vst v1  }
0x3f: {  	v1 =	vld [tilespmem:s13+$0x30];
	_ =	sdelay $0x4  }
0x40: {  	[tilespmem:$0x27B0] =	vst v1  }
0x41: {  	v1 =	vld [tilespmem:s13+$0x40];
	_ =	sdelay $0x4  }
0x42: {  	[tilespmem:$0x27C0] =	vst v1  }
0x43: {  	[spmem:s1] =	stream.indirect.scatter.add.f32 [tilespmem:s11], [sflag:$0x1], $0x1, s10, s9, $0xb8;
	[tilespmem:$0x2AF8] =	vst v63  }
0x44: {  	_ =	swait.ge [sflag:s8], $0x50  }
0x45: {  	[sflag:s8] =	ssyncset.done $0x0  }
0x46: {  	s12 =	sadd.s32 $0x1, s12;
	[sflag:s8] =	ssyncadd.s32 $0xFFFFFFB0  }
0x47: {  	p1 =	sne.s32 s12, s6;
	s13 =	simm.s32 @!p0 $0x1C01;
	[bflag:$0x0] =	sbarrier.arrive $0xFFFF  }
0x48: {  	[hbm:s5], [sflag:s13] =	dma.local @!p0 [spmem:s7], $0x4F0  }
.Ltmp1:
0x49: {  	_ = 	snop;
	(pc) =	sbr.rel @p1 .LBB2_1-.Ltmp1, $4  }
0x4a: {  	s13 =	simm.s32 @!p0 $0x1  }
0x4b: {  	_ =	swait.ge @!p0 [sflag:s13], $0x4F0  }
0x4c: {  	[sflag:s13] =	ssyncset.done @!p0 $0x0  }
0x4d: {  	[sflag:s13] =	ssyncadd.s32 @!p0 $0xFFFFFB10  }
0x4e: {  	_ =	sfence.sel $0x180000  }
0x4f: {  	[bflag:$0x0] =	sbarrier.arrive $0xFFFF  }
0x50: {  	_ =	strace $0x90000047  }
0x51: {  	s0 =	sadd.s32 @!p0 $0x100000, s0;
	[bflag:$0x2] =	sbarrier.arrive $0xFFFF  }
0x52: {  	[sflag:s0] =	ssyncadd.tile.s32 @!p0 $0x1;
	_ =	shalt  }
.Lfunc_end2:
_tile_overlayer_lowered:
.L_overlay_start_2:
0x53: {  	(tag) =	ssettag $0x2  }
0x54: {  	s0 =	rddreg [dreg:$0x0];
	s2 =	stileid.u32  }
0x55: {  	s1 =	rddreg [dreg:$0x1];
	p0 =	sne.s32 s2, $0x0  }
0x56: {  	s3 =	rddreg [dreg:$0x2];
	[bflag:$0x3] =	sbarrier.arrive $0xFFFF;
	s2 =	simm.s32 @!p0 $0x1C01  }
0x57: {  	[timem:s3], [sflag:s2] =	dma.local @!p0 [hbm:s0], s1  }
0x58: {  	s0 =	simm.s32 @!p0 $0x1  }
0x59: {  	_ =	swait.ge @!p0 [sflag:s0], s1  }
0x5a: {  	s1 =	ssub.s32 @!p0 $0x0, s1;
	[sflag:s0] =	ssyncset.done @!p0 $0x0  }
0x5b: {  	[sflag:s0] =	ssyncadd.s32 @!p0 s1  }
0x5c: {  	[bflag:$0x3] =	sbarrier.arrive $0xFFFF  }
0x5d: {  	_ =	shalt  }

</sc_bundles>
